<compile_context>
chip_gen: v7x
topology: tpu7x:2x2x1
jax: 0.10.2.dev20260603
libtpu: 0.0.44.dev20260713+nightly
codegen_flags: <defaults>
</compile_context>

<pallas_src>
import functools

import jax
import jax.numpy as jnp
from jax import lax
from jax.experimental import pallas as pl
from jax.experimental.pallas import tpu as pltpu
from jax.experimental.pallas import tpu_sc as plsc

N = 10000
M = 32
F = 128
BD = 16
E = N * M
F2 = 2 * F


NB = 400
EB = NB * M
NBLK = N // NB

_EPS = 1e-5



_SC_CHUNK = 80


def _sc_gather(idx_flat, table):
    info = plsc.get_sparse_core_info()
    nw = info.num_cores * info.num_subcores
    per_w = E // nw
    n_ch = per_w // _SC_CHUNK
    lk = 4
    nbuf = 2 * lk
    mesh = plsc.VectorSubcoreMesh(core_axis_name="c", subcore_axis_name="s")

    @functools.partial(
        pl.kernel,
        out_type=jax.ShapeDtypeStruct((E, F), jnp.float32),
        mesh=mesh,
        scratch_types=(
            [pltpu.VMEM((per_w,), jnp.int32)]
            + [pltpu.VMEM((_SC_CHUNK, F), jnp.float32)] * nbuf
            + [pltpu.SemaphoreType.DMA] * (2 * nbuf)
        ),
    )
    def gk(idx_hbm, table_hbm, out_hbm, idx_v, *bufs):
        rows = bufs[:nbuf]
        sg = bufs[nbuf:2 * nbuf]
        ss = bufs[2 * nbuf:]
        wid = lax.axis_index("s") * info.num_cores + lax.axis_index("c")
        base = wid * per_w

        def gather(c, p):
            pltpu.async_copy(
                table_hbm.at[idx_v.at[pl.ds(c * _SC_CHUNK, _SC_CHUNK)]],
                rows[p], sg[p])

        def store(c, p):
            pltpu.async_copy(
                rows[p], out_hbm.at[pl.ds(base + c * _SC_CHUNK, _SC_CHUNK)],
                ss[p])

        def wait_gather(p):
            pltpu.make_async_copy(
                table_hbm.at[pl.ds(0, _SC_CHUNK)], rows[p], sg[p]).wait()

        def wait_store(p):
            pltpu.make_async_copy(
                rows[p], out_hbm.at[pl.ds(base, _SC_CHUNK)], ss[p]).wait()

        pltpu.sync_copy(idx_hbm.at[pl.ds(base, per_w)], idx_v)
        for c in range(lk):
            gather(c, c)

        def step(c, p, static_tail):
            wait_gather(p)
            store(c, p)
            q = (p + lk) % nbuf
            if static_tail:
                if c + lk < n_ch:
                    wait_store(q)
                    gather(c + lk, q)
            else:
                @pl.when(c + lk < n_ch)
                def _():
                    @pl.when(c >= lk)
                    def _():
                        wait_store(q)

                    gather(c + lk, q)

        n_main = (n_ch // nbuf) * nbuf

        @pl.loop(0, n_main // nbuf)
        def _(i):
            for p in range(nbuf):
                step(i * nbuf + p, p, False)

        for c in range(n_main, n_ch):
            step(c, c % nbuf, True)
        for c in range(max(0, n_ch - nbuf), n_ch):
            wait_store(c % nbuf)

    return gk(idx_flat, table)




def _edge_z(atom_ref, g_ref, bond_ref, ws_ref, wn_ref, wb_ref):
    s1 = jnp.dot(atom_ref[...], ws_ref[...],
                 preferred_element_type=jnp.float32)
    zg = jnp.dot(g_ref[...], wn_ref[...], preferred_element_type=jnp.float32)
    zq = jnp.dot(bond_ref[...].reshape(EB, BD), wb_ref[...],
                 preferred_element_type=jnp.float32)
    return (zg + zq).reshape(NB, M, F2) + s1[:, None, :]


def _softplus(x):
    return jnp.maximum(x, 0.0) + jnp.log(1.0 + jnp.exp(-jnp.abs(x)))


def _fused_body(atom_ref, g_ref, bond_ref, ws_ref, wn_ref, wb_ref,
                sc1_ref, of1_ref, sc2_ref, of2_ref,
                out_ref, st1_ref, st2_ref, s_ref):
    p = pl.program_id(0)
    i = pl.program_id(1)

    @pl.when(p == 0)
    def _():
        z = _edge_z(atom_ref, g_ref, bond_ref, ws_ref, wn_ref, wb_ref)
        acc = jnp.concatenate([jnp.sum(z, axis=(0, 1))[None, :],
                               jnp.sum(z * z, axis=(0, 1))[None, :]], axis=0)

        @pl.when(i == 0)
        def _():
            st1_ref[...] = jnp.zeros_like(st1_ref)

        st1_ref[...] += acc

    @pl.when(p == 1)
    def _():
        st = st1_ref[...]
        mean = st[0:1, :] * (1.0 / E)
        var = st[1:2, :] * (1.0 / E) - mean * mean
        inv = sc1_ref[...] * lax.rsqrt(var + _EPS)
        beta = of1_ref[...] - mean * inv

        z = _edge_z(atom_ref, g_ref, bond_ref, ws_ref, wn_ref, wb_ref)
        y = z * inv[None, :, :] + beta[None, :, :]
        filt = 1.0 / (1.0 + jnp.exp(-y[:, :, :F]))
        core = _softplus(y[:, :, F:])
        s_nb = jnp.sum(filt * core, axis=1)
        s_ref[pl.ds(i * NB, NB), :] = s_nb
        acc = jnp.concatenate([jnp.sum(s_nb, axis=0)[None, :],
                               jnp.sum(s_nb * s_nb, axis=0)[None, :]], axis=0)

        @pl.when(i == 0)
        def _():
            st2_ref[...] = jnp.zeros_like(st2_ref)

        st2_ref[...] += acc

    @pl.when(p == 2)
    def _():
        st = st2_ref[...]
        mean = st[0:1, :] * (1.0 / N)
        var = st[1:2, :] * (1.0 / N) - mean * mean
        inv = sc2_ref[...] * lax.rsqrt(var + _EPS)
        beta = of2_ref[...] - mean * inv
        out_ref[...] = _softplus(
            atom_ref[...] + s_ref[pl.ds(i * NB, NB), :] * inv + beta)


def _full(shape):
    return pl.BlockSpec(shape, lambda p, i: (0,) * len(shape))


def _fused_call(atom, g, bond, ws, wn, wb, sc1, of1, sc2, of2):
    def edge_map(p, i):
        return (jnp.where(p == 2, 0, i), 0)

    def edge_map3(p, i):
        return (jnp.where(p == 2, 0, i), 0, 0)

    return pl.pallas_call(
        _fused_body,
        grid=(3, NBLK),
        in_specs=[
            pl.BlockSpec((NB, F), lambda p, i: (i, 0)),
            pl.BlockSpec((EB, F), edge_map),
            pl.BlockSpec((NB, M, BD), edge_map3),
            _full((F, F2)),
            _full((F, F2)),
            _full((BD, F2)),
            _full((1, F2)),
            _full((1, F2)),
            _full((1, F)),
            _full((1, F)),
        ],
        out_specs=pl.BlockSpec((NB, F), lambda p, i: (i, 0)),
        out_shape=jax.ShapeDtypeStruct((N, F), jnp.float32),
        scratch_shapes=[
            pltpu.VMEM((2, F2), jnp.float32),
            pltpu.VMEM((2, F), jnp.float32),
            pltpu.VMEM((N, F), jnp.float32),
        ],
        compiler_params=pltpu.CompilerParams(
            dimension_semantics=("arbitrary", "arbitrary")),
    )(atom, g, bond, ws, wn, wb, sc1, of1, sc2, of2)


def kernel(neighbor_indices, atom_features, bond_features, W, b,
           bn1_scale, bn1_offset, bn2_scale, bn2_offset):
    del b
    idx_flat = neighbor_indices.reshape(E).astype(jnp.int32)
    ws, wn, wb = W[:F], W[F:2 * F], W[2 * F:]

    g = _sc_gather(idx_flat, atom_features)
    return _fused_call(atom_features, g, bond_features, ws, wn, wb,
                       bn1_scale.reshape(1, F2), bn1_offset.reshape(1, F2),
                       bn2_scale.reshape(1, F), bn2_offset.reshape(1, F))

# --- scband reference (transcript-rebuilt; emitter-appended) ---
"""Pipeline reference for scband-cgconv-9680856285726 (READ-ONLY COPY).

The authoritative reference and input builder live on the scoring server;
editing this copy changes nothing except your own understanding.
"""

import jax, jax.numpy as jnp
import numpy as np

N = 10000
M = 32
F = 128
B = 16

def setup_inputs(seed: int = 0) -> dict:
    key = jax.random.key(seed)
    k1, k2, k3, k4, k5 = jax.random.split(key, 5)
    neighbor_indices = jax.random.randint(k1, (N, M), 0, N, dtype=jnp.int64)
    atom_features = jax.random.normal(k2, (N, F), dtype=jnp.float32)
    bond_features = jax.random.normal(k3, (N, M, B), dtype=jnp.float32)
    fan_in = 2 * F + B
    W = jax.random.normal(k4, (fan_in, 2 * F), dtype=jnp.float32) / jnp.sqrt(fan_in)
    b = jnp.zeros((2 * F,), dtype=jnp.float32)
    bn1_scale = jnp.ones((2 * F,), dtype=jnp.float32)
    bn1_offset = jnp.zeros((2 * F,), dtype=jnp.float32)
    bn2_scale = jnp.ones((F,), dtype=jnp.float32)
    bn2_offset = jnp.zeros((F,), dtype=jnp.float32)
    return {"neighbor_indices": neighbor_indices, "atom_features": atom_features,
            "bond_features": bond_features, "W": W, "b": b,
            "bn1_scale": bn1_scale, "bn1_offset": bn1_offset,
            "bn2_scale": bn2_scale, "bn2_offset": bn2_offset}

def _batchnorm(x, scale, offset, eps=1e-5):
    mean = jnp.mean(x, axis=0)
    var = jnp.var(x, axis=0)
    inv = scale / jnp.sqrt(var + eps)
    return (x - mean) * inv + offset

def reference(neighbor_indices, atom_features, bond_features, W, b,
              bn1_scale, bn1_offset, bn2_scale, bn2_offset):
    n, m = neighbor_indices.shape
    f = atom_features.shape[1]
    atom_neighbor_features = atom_features[neighbor_indices, :]  # (N, M, F) gather
    total_neighbor_features = jnp.concatenate([
        jnp.broadcast_to(atom_features[:, None, :], (n, m, f)),
        atom_neighbor_features,
        bond_features], axis=2)  # (N, M, 2F + B)
    total_gated_features = jnp.dot(total_neighbor_features, W) + b  # (N, M, 2F)
    flat = total_gated_features.reshape(-1, 2 * f)
    flat = _batchnorm(flat, bn1_scale, bn1_offset)
    total_gated_features = flat.reshape(n, m, 2 * f)
    neighbor_filter, neighbor_core = jnp.split(total_gated_features, 2, axis=2)
    neighbor_filter = jax.nn.sigmoid(neighbor_filter)
    neighbor_core = jax.nn.softplus(neighbor_core)
    neighbor_summed = jnp.sum(neighbor_filter * neighbor_core, axis=1)  # (N, F)
    neighbor_summed = _batchnorm(neighbor_summed, bn2_scale, bn2_offset)
    out = jax.nn.softplus(atom_features + neighbor_summed)
    return out

if __name__ == "__main__":
    import jax
    _d = setup_inputs()
    print(jax.jit(kernel)(*tuple(_d.values())))

</pallas_src>

<mosaic_0001>
#map = affine_map<(d0, d1) -> (0)>
#map1 = affine_map<(d0, d1) -> (0, 0)>
module attributes {stable_mosaic.version = 14 : i64} {
  func.func @gk(%arg0: i32, %arg1: i32, %arg2: memref<320000xi32, #tpu.memory_space<hbm>>, %arg3: memref<10000x128xf32, #tpu.memory_space<hbm>>, %arg4: memref<320000x128xf32, #tpu.memory_space<hbm>>, %arg5: memref<10000xi32, #tpu.memory_space<vmem>>, %arg6: memref<80x128xf32, #tpu.memory_space<vmem>>, %arg7: memref<80x128xf32, #tpu.memory_space<vmem>>, %arg8: memref<80x128xf32, #tpu.memory_space<vmem>>, %arg9: memref<80x128xf32, #tpu.memory_space<vmem>>, %arg10: memref<80x128xf32, #tpu.memory_space<vmem>>, %arg11: memref<80x128xf32, #tpu.memory_space<vmem>>, %arg12: memref<80x128xf32, #tpu.memory_space<vmem>>, %arg13: memref<80x128xf32, #tpu.memory_space<vmem>>, %arg14: memref<!tpu.dma_semaphore, #tpu.memory_space<semaphore_mem>>, %arg15: memref<!tpu.dma_semaphore, #tpu.memory_space<semaphore_mem>>, %arg16: memref<!tpu.dma_semaphore, #tpu.memory_space<semaphore_mem>>, %arg17: memref<!tpu.dma_semaphore, #tpu.memory_space<semaphore_mem>>, %arg18: memref<!tpu.dma_semaphore, #tpu.memory_space<semaphore_mem>>, %arg19: memref<!tpu.dma_semaphore, #tpu.memory_space<semaphore_mem>>, %arg20: memref<!tpu.dma_semaphore, #tpu.memory_space<semaphore_mem>>, %arg21: memref<!tpu.dma_semaphore, #tpu.memory_space<semaphore_mem>>, %arg22: memref<!tpu.dma_semaphore, #tpu.memory_space<semaphore_mem>>, %arg23: memref<!tpu.dma_semaphore, #tpu.memory_space<semaphore_mem>>, %arg24: memref<!tpu.dma_semaphore, #tpu.memory_space<semaphore_mem>>, %arg25: memref<!tpu.dma_semaphore, #tpu.memory_space<semaphore_mem>>, %arg26: memref<!tpu.dma_semaphore, #tpu.memory_space<semaphore_mem>>, %arg27: memref<!tpu.dma_semaphore, #tpu.memory_space<semaphore_mem>>, %arg28: memref<!tpu.dma_semaphore, #tpu.memory_space<semaphore_mem>>, %arg29: memref<!tpu.dma_semaphore, #tpu.memory_space<semaphore_mem>>) attributes {dimension_semantics = [#tpu.dimension_semantics<core_parallel>, #tpu.dimension_semantics<subcore_parallel>], iteration_bounds = array<i64: 2, 16>, scalar_prefetch = 0 : i64, scratch_operands = 25 : i64, tpu.core_type = #tpu.core_type<sc_vector_subcore>, window_params = [{transform_indices = #map}, {transform_indices = #map1}, {transform_indices = #map1}]} {
    %mul3A = arith.constant 2 : i32
    %mul3A_0 = arith.muli %arg1, %mul3A : i32
    %add3A = arith.addi %mul3A_0, %arg0 : i32
    %mul3A_1 = arith.constant 10000 : i32
    %mul3A_2 = arith.muli %add3A, %mul3A_1 : i32
    "tpu.region"() ({
      %run_scoped3A = tpu.sem_alloc : memref<!tpu.dma_semaphore, #tpu.memory_space<semaphore_mem>>
      %dma_start3A_126 = tpu.memref_slice %arg2[%mul3A_2] : memref<320000xi32, #tpu.memory_space<hbm>> -> memref<10000xi32, #tpu.memory_space<hbm>>
      %dma_start3A_127 = tpu.memref_slice %arg2[%mul3A_2] : memref<320000xi32, #tpu.memory_space<hbm>> -> memref<10000xi32, #tpu.memory_space<hbm>>
      tpu.enqueue_dma source(%dma_start3A_127 : memref<10000xi32, #tpu.memory_space<hbm>>) target(%arg5 : memref<10000xi32, #tpu.memory_space<vmem>>) target_semaphore(%run_scoped3A : memref<!tpu.dma_semaphore, #tpu.memory_space<semaphore_mem>>)
      %dma_wait3A_128 = tpu.memref_slice %arg2[%mul3A_2] : memref<320000xi32, #tpu.memory_space<hbm>> -> memref<10000xi32, #tpu.memory_space<hbm>>
      %dma_wait3A_129 = tpu.memref_slice %arg2[%mul3A_2] : memref<320000xi32, #tpu.memory_space<hbm>> -> memref<10000xi32, #tpu.memory_space<hbm>>
      tpu.wait_dma2 semaphore(%run_scoped3A : memref<!tpu.dma_semaphore, #tpu.memory_space<semaphore_mem>>) src(%dma_wait3A_129 : memref<10000xi32, #tpu.memory_space<hbm>>) dst(%arg5 : memref<10000xi32, #tpu.memory_space<vmem>>)
      tpu.yield
    }) : () -> ()
    %dma_start3A = arith.constant 0 : i32
    %dma_start3A_3 = tpu.memref_slice %arg5[%dma_start3A] : memref<10000xi32, #tpu.memory_space<vmem>> -> memref<80xi32, #tpu.memory_space<vmem>>
    %dma_start3A_4 = arith.constant 0 : i32
    %dma_start3A_5 = arith.constant 0 : i32
    %dma_start3A_6 = tpu.memref_slice %arg3[%dma_start3A_4, %dma_start3A_5] : memref<10000x128xf32, #tpu.memory_space<hbm>> -> memref<10000x128xf32, #tpu.memory_space<hbm>>
    tpu.enqueue_indirect_dma source(%dma_start3A_6 : memref<10000x128xf32, #tpu.memory_space<hbm>>) target(%arg6 : memref<80x128xf32, #tpu.memory_space<vmem>>) offsets(%dma_start3A_3 : memref<80xi32, #tpu.memory_space<vmem>>) semaphore(%arg14 : memref<!tpu.dma_semaphore, #tpu.memory_space<semaphore_mem>>)
    %dma_start3A_7 = arith.constant 80 : i32
    %dma_start3A_8 = tpu.memref_slice %arg5[%dma_start3A_7] : memref<10000xi32, #tpu.memory_space<vmem>> -> memref<80xi32, #tpu.memory_space<vmem>>
    %dma_start3A_9 = arith.constant 0 : i32
    %dma_start3A_10 = arith.constant 0 : i32
    %dma_start3A_11 = tpu.memref_slice %arg3[%dma_start3A_9, %dma_start3A_10] : memref<10000x128xf32, #tpu.memory_space<hbm>> -> memref<10000x128xf32, #tpu.memory_space<hbm>>
    tpu.enqueue_indirect_dma source(%dma_start3A_11 : memref<10000x128xf32, #tpu.memory_space<hbm>>) target(%arg7 : memref<80x128xf32, #tpu.memory_space<vmem>>) offsets(%dma_start3A_8 : memref<80xi32, #tpu.memory_space<vmem>>) semaphore(%arg15 : memref<!tpu.dma_semaphore, #tpu.memory_space<semaphore_mem>>)
    %dma_start3A_12 = arith.constant 160 : i32
    %dma_start3A_13 = tpu.memref_slice %arg5[%dma_start3A_12] : memref<10000xi32, #tpu.memory_space<vmem>> -> memref<80xi32, #tpu.memory_space<vmem>>
    %dma_start3A_14 = arith.constant 0 : i32
    %dma_start3A_15 = arith.constant 0 : i32
    %dma_start3A_16 = tpu.memref_slice %arg3[%dma_start3A_14, %dma_start3A_15] : memref<10000x128xf32, #tpu.memory_space<hbm>> -> memref<10000x128xf32, #tpu.memory_space<hbm>>
    tpu.enqueue_indirect_dma source(%dma_start3A_16 : memref<10000x128xf32, #tpu.memory_space<hbm>>) target(%arg8 : memref<80x128xf32, #tpu.memory_space<vmem>>) offsets(%dma_start3A_13 : memref<80xi32, #tpu.memory_space<vmem>>) semaphore(%arg16 : memref<!tpu.dma_semaphore, #tpu.memory_space<semaphore_mem>>)
    %dma_start3A_17 = arith.constant 240 : i32
    %dma_start3A_18 = tpu.memref_slice %arg5[%dma_start3A_17] : memref<10000xi32, #tpu.memory_space<vmem>> -> memref<80xi32, #tpu.memory_space<vmem>>
    %dma_start3A_19 = arith.constant 0 : i32
    %dma_start3A_20 = arith.constant 0 : i32
    %dma_start3A_21 = tpu.memref_slice %arg3[%dma_start3A_19, %dma_start3A_20] : memref<10000x128xf32, #tpu.memory_space<hbm>> -> memref<10000x128xf32, #tpu.memory_space<hbm>>
    tpu.enqueue_indirect_dma source(%dma_start3A_21 : memref<10000x128xf32, #tpu.memory_space<hbm>>) target(%arg9 : memref<80x128xf32, #tpu.memory_space<vmem>>) offsets(%dma_start3A_18 : memref<80xi32, #tpu.memory_space<vmem>>) semaphore(%arg17 : memref<!tpu.dma_semaphore, #tpu.memory_space<semaphore_mem>>)
    %scan3A = arith.constant 0 : i32
    %scan3A_22 = arith.constant 15 : i32
    %scan3A_23 = arith.addi %scan3A, %scan3A_22 : i32
    %scan3A_24 = arith.constant 1 : i32
    scf.for %scan3A_126 = %scan3A to %scan3A_23 step %scan3A_24  : i32 {
      %mul3A_127 = arith.constant 1 : i32
      %mul3A_128 = arith.muli %scan3A_126, %mul3A_127 : i32
      %add3A_129 = arith.constant 0 : i32
      %add3A_130 = arith.addi %add3A_129, %mul3A_128 : i32
      %mul3A_131 = arith.constant 8 : i32
      %mul3A_132 = arith.muli %add3A_130, %mul3A_131 : i32
      %add3A_133 = arith.constant 0 : i32
      %add3A_134 = arith.addi %mul3A_132, %add3A_133 : i32
      %dma_wait3A_135 = arith.constant 0 : i32
      %dma_wait3A_136 = arith.constant 0 : i32
      %dma_wait3A_137 = tpu.memref_slice %arg3[%dma_wait3A_135, %dma_wait3A_136] : memref<10000x128xf32, #tpu.memory_space<hbm>> -> memref<80x128xf32, #tpu.memory_space<hbm>>
      %dma_wait3A_138 = arith.constant 0 : i32
      %dma_wait3A_139 = arith.constant 0 : i32
      %dma_wait3A_140 = tpu.memref_slice %arg3[%dma_wait3A_138, %dma_wait3A_139] : memref<10000x128xf32, #tpu.memory_space<hbm>> -> memref<80x128xf32, #tpu.memory_space<hbm>>
      tpu.wait_dma2 semaphore(%arg14 : memref<!tpu.dma_semaphore, #tpu.memory_space<semaphore_mem>>) src(%dma_wait3A_140 : memref<80x128xf32, #tpu.memory_space<hbm>>) dst(%arg6 : memref<80x128xf32, #tpu.memory_space<vmem>>)
      %mul3A_141 = arith.constant 80 : i32
      %mul3A_142 = arith.muli %add3A_134, %mul3A_141 : i32
      %add3A_143 = arith.addi %mul3A_2, %mul3A_142 : i32
      %dma_start3A_144 = arith.constant 0 : i32
      %dma_start3A_145 = tpu.memref_slice %arg4[%add3A_143, %dma_start3A_144] : memref<320000x128xf32, #tpu.memory_space<hbm>> -> memref<80x128xf32, #tpu.memory_space<hbm>>
      %dma_start3A_146 = arith.constant 0 : i32
      %dma_start3A_147 = tpu.memref_slice %arg4[%add3A_143, %dma_start3A_146] : memref<320000x128xf32, #tpu.memory_space<hbm>> -> memref<80x128xf32, #tpu.memory_space<hbm>>
      tpu.enqueue_dma source(%arg6 : memref<80x128xf32, #tpu.memory_space<vmem>>) target(%dma_start3A_147 : memref<80x128xf32, #tpu.memory_space<hbm>>) target_semaphore(%arg22 : memref<!tpu.dma_semaphore, #tpu.memory_space<semaphore_mem>>)
      %add3A_148 = arith.constant 4 : i32
      %add3A_149 = arith.addi %add3A_134, %add3A_148 : i32
      %lt3A = arith.constant 125 : i32
      %lt3A_150 = arith.cmpi slt, %add3A_149, %lt3A : i32
      %convert_element_type3A = arith.extui %lt3A_150 : i1 to i32
      %cond3A = arith.constant 0 : i32
      %cond3A_151 = arith.cmpi ne, %convert_element_type3A, %cond3A : i32
      scf.if %cond3A_151 {
        %ge3A = arith.constant 4 : i32
        %ge3A_320 = arith.cmpi sge, %add3A_134, %ge3A : i32
        %convert_element_type3A_321 = arith.extui %ge3A_320 : i1 to i32
        %cond3A_322 = arith.constant 0 : i32
        %cond3A_323 = arith.cmpi ne, %convert_element_type3A_321, %cond3A_322 : i32
        scf.if %cond3A_323 {
          %dma_wait3A_332 = arith.constant 0 : i32
          %dma_wait3A_333 = tpu.memref_slice %arg4[%mul3A_2, %dma_wait3A_332] : memref<320000x128xf32, #tpu.memory_space<hbm>> -> memref<80x128xf32, #tpu.memory_space<hbm>>
          %dma_wait3A_334 = arith.constant 0 : i32
          %dma_wait3A_335 = tpu.memref_slice %arg4[%mul3A_2, %dma_wait3A_334] : memref<320000x128xf32, #tpu.memory_space<hbm>> -> memref<80x128xf32, #tpu.memory_space<hbm>>
          tpu.wait_dma2 semaphore(%arg26 : memref<!tpu.dma_semaphore, #tpu.memory_space<semaphore_mem>>) src(%arg10 : memref<80x128xf32, #tpu.memory_space<vmem>>) dst(%dma_wait3A_335 : memref<80x128xf32, #tpu.memory_space<hbm>>)
        } else {
        }
        %add3A_324 = arith.constant 4 : i32
        %add3A_325 = arith.addi %add3A_134, %add3A_324 : i32
        %mul3A_326 = arith.constant 80 : i32
        %mul3A_327 = arith.muli %add3A_325, %mul3A_326 : i32
        %dma_start3A_328 = tpu.memref_slice %arg5[%mul3A_327] : memref<10000xi32, #tpu.memory_space<vmem>> -> memref<80xi32, #tpu.memory_space<vmem>>
        %dma_start3A_329 = arith.constant 0 : i32
        %dma_start3A_330 = arith.constant 0 : i32
        %dma_start3A_331 = tpu.memref_slice %arg3[%dma_start3A_329, %dma_start3A_330] : memref<10000x128xf32, #tpu.memory_space<hbm>> -> memref<10000x128xf32, #tpu.memory_space<hbm>>
        tpu.enqueue_indirect_dma source(%dma_start3A_331 : memref<10000x128xf32, #tpu.memory_space<hbm>>) target(%arg10 : memref<80x128xf32, #tpu.memory_space<vmem>>) offsets(%dma_start3A_328 : memref<80xi32, #tpu.memory_space<vmem>>) semaphore(%arg18 : memref<!tpu.dma_semaphore, #tpu.memory_space<semaphore_mem>>)
      } else {
      }
      %mul3A_152 = arith.constant 8 : i32
      %mul3A_153 = arith.muli %add3A_130, %mul3A_152 : i32
      %add3A_154 = arith.constant 1 : i32
      %add3A_155 = arith.addi %mul3A_153, %add3A_154 : i32
      %dma_wait3A_156 = arith.constant 0 : i32
      %dma_wait3A_157 = arith.constant 0 : i32
      %dma_wait3A_158 = tpu.memref_slice %arg3[%dma_wait3A_156, %dma_wait3A_157] : memref<10000x128xf32, #tpu.memory_space<hbm>> -> memref<80x128xf32, #tpu.memory_space<hbm>>
      %dma_wait3A_159 = arith.constant 0 : i32
      %dma_wait3A_160 = arith.constant 0 : i32
      %dma_wait3A_161 = tpu.memref_slice %arg3[%dma_wait3A_159, %dma_wait3A_160] : memref<10000x128xf32, #tpu.memory_space<hbm>> -> memref<80x128xf32, #tpu.memory_space<hbm>>
      tpu.wait_dma2 semaphore(%arg15 : memref<!tpu.dma_semaphore, #tpu.memory_space<semaphore_mem>>) src(%dma_wait3A_161 : memref<80x128xf32, #tpu.memory_space<hbm>>) dst(%arg7 : memref<80x128xf32, #tpu.memory_space<vmem>>)
      %mul3A_162 = arith.constant 80 : i32
      %mul3A_163 = arith.muli %add3A_155, %mul3A_162 : i32
      %add3A_164 = arith.addi %mul3A_2, %mul3A_163 : i32
      %dma_start3A_165 = arith.constant 0 : i32
      %dma_start3A_166 = tpu.memref_slice %arg4[%add3A_164, %dma_start3A_165] : memref<320000x128xf32, #tpu.memory_space<hbm>> -> memref<80x128xf32, #tpu.memory_space<hbm>>
      %dma_start3A_167 = arith.constant 0 : i32
      %dma_start3A_168 = tpu.memref_slice %arg4[%add3A_164, %dma_start3A_167] : memref<320000x128xf32, #tpu.memory_space<hbm>> -> memref<80x128xf32, #tpu.memory_space<hbm>>
      tpu.enqueue_dma source(%arg7 : memref<80x128xf32, #tpu.memory_space<vmem>>) target(%dma_start3A_168 : memref<80x128xf32, #tpu.memory_space<hbm>>) target_semaphore(%arg23 : memref<!tpu.dma_semaphore, #tpu.memory_space<semaphore_mem>>)
      %add3A_169 = arith.constant 4 : i32
      %add3A_170 = arith.addi %add3A_155, %add3A_169 : i32
      %lt3A_171 = arith.constant 125 : i32
      %lt3A_172 = arith.cmpi slt, %add3A_170, %lt3A_171 : i32
      %convert_element_type3A_173 = arith.extui %lt3A_172 : i1 to i32
      %cond3A_174 = arith.constant 0 : i32
      %cond3A_175 = arith.cmpi ne, %convert_element_type3A_173, %cond3A_174 : i32
      scf.if %cond3A_175 {
        %ge3A = arith.constant 4 : i32
        %ge3A_320 = arith.cmpi sge, %add3A_155, %ge3A : i32
        %convert_element_type3A_321 = arith.extui %ge3A_320 : i1 to i32
        %cond3A_322 = arith.constant 0 : i32
        %cond3A_323 = arith.cmpi ne, %convert_element_type3A_321, %cond3A_322 : i32
        scf.if %cond3A_323 {
          %dma_wait3A_332 = arith.constant 0 : i32
          %dma_wait3A_333 = tpu.memref_slice %arg4[%mul3A_2, %dma_wait3A_332] : memref<320000x128xf32, #tpu.memory_space<hbm>> -> memref<80x128xf32, #tpu.memory_space<hbm>>
          %dma_wait3A_334 = arith.constant 0 : i32
          %dma_wait3A_335 = tpu.memref_slice %arg4[%mul3A_2, %dma_wait3A_334] : memref<320000x128xf32, #tpu.memory_space<hbm>> -> memref<80x128xf32, #tpu.memory_space<hbm>>
          tpu.wait_dma2 semaphore(%arg27 : memref<!tpu.dma_semaphore, #tpu.memory_space<semaphore_mem>>) src(%arg11 : memref<80x128xf32, #tpu.memory_space<vmem>>) dst(%dma_wait3A_335 : memref<80x128xf32, #tpu.memory_space<hbm>>)
        } else {
        }
        %add3A_324 = arith.constant 4 : i32
        %add3A_325 = arith.addi %add3A_155, %add3A_324 : i32
        %mul3A_326 = arith.constant 80 : i32
        %mul3A_327 = arith.muli %add3A_325, %mul3A_326 : i32
        %dma_start3A_328 = tpu.memref_slice %arg5[%mul3A_327] : memref<10000xi32, #tpu.memory_space<vmem>> -> memref<80xi32, #tpu.memory_space<vmem>>
        %dma_start3A_329 = arith.constant 0 : i32
        %dma_start3A_330 = arith.constant 0 : i32
        %dma_start3A_331 = tpu.memref_slice %arg3[%dma_start3A_329, %dma_start3A_330] : memref<10000x128xf32, #tpu.memory_space<hbm>> -> memref<10000x128xf32, #tpu.memory_space<hbm>>
        tpu.enqueue_indirect_dma source(%dma_start3A_331 : memref<10000x128xf32, #tpu.memory_space<hbm>>) target(%arg11 : memref<80x128xf32, #tpu.memory_space<vmem>>) offsets(%dma_start3A_328 : memref<80xi32, #tpu.memory_space<vmem>>) semaphore(%arg19 : memref<!tpu.dma_semaphore, #tpu.memory_space<semaphore_mem>>)
      } else {
      }
      %mul3A_176 = arith.constant 8 : i32
      %mul3A_177 = arith.muli %add3A_130, %mul3A_176 : i32
      %add3A_178 = arith.constant 2 : i32
      %add3A_179 = arith.addi %mul3A_177, %add3A_178 : i32
      %dma_wait3A_180 = arith.constant 0 : i32
      %dma_wait3A_181 = arith.constant 0 : i32
      %dma_wait3A_182 = tpu.memref_slice %arg3[%dma_wait3A_180, %dma_wait3A_181] : memref<10000x128xf32, #tpu.memory_space<hbm>> -> memref<80x128xf32, #tpu.memory_space<hbm>>
      %dma_wait3A_183 = arith.constant 0 : i32
      %dma_wait3A_184 = arith.constant 0 : i32
      %dma_wait3A_185 = tpu.memref_slice %arg3[%dma_wait3A_183, %dma_wait3A_184] : memref<10000x128xf32, #tpu.memory_space<hbm>> -> memref<80x128xf32, #tpu.memory_space<hbm>>
      tpu.wait_dma2 semaphore(%arg16 : memref<!tpu.dma_semaphore, #tpu.memory_space<semaphore_mem>>) src(%dma_wait3A_185 : memref<80x128xf32, #tpu.memory_space<hbm>>) dst(%arg8 : memref<80x128xf32, #tpu.memory_space<vmem>>)
      %mul3A_186 = arith.constant 80 : i32
      %mul3A_187 = arith.muli %add3A_179, %mul3A_186 : i32
      %add3A_188 = arith.addi %mul3A_2, %mul3A_187 : i32
      %dma_start3A_189 = arith.constant 0 : i32
      %dma_start3A_190 = tpu.memref_slice %arg4[%add3A_188, %dma_start3A_189] : memref<320000x128xf32, #tpu.memory_space<hbm>> -> memref<80x128xf32, #tpu.memory_space<hbm>>
      %dma_start3A_191 = arith.constant 0 : i32
      %dma_start3A_192 = tpu.memref_slice %arg4[%add3A_188, %dma_start3A_191] : memref<320000x128xf32, #tpu.memory_space<hbm>> -> memref<80x128xf32, #tpu.memory_space<hbm>>
      tpu.enqueue_dma source(%arg8 : memref<80x128xf32, #tpu.memory_space<vmem>>) target(%dma_start3A_192 : memref<80x128xf32, #tpu.memory_space<hbm>>) target_semaphore(%arg24 : memref<!tpu.dma_semaphore, #tpu.memory_space<semaphore_mem>>)
      %add3A_193 = arith.constant 4 : i32
      %add3A_194 = arith.addi %add3A_179, %add3A_193 : i32
      %lt3A_195 = arith.constant 125 : i32
      %lt3A_196 = arith.cmpi slt, %add3A_194, %lt3A_195 : i32
      %convert_element_type3A_197 = arith.extui %lt3A_196 : i1 to i32
      %cond3A_198 = arith.constant 0 : i32
      %cond3A_199 = arith.cmpi ne, %convert_element_type3A_197, %cond3A_198 : i32
      scf.if %cond3A_199 {
        %ge3A = arith.constant 4 : i32
        %ge3A_320 = arith.cmpi sge, %add3A_179, %ge3A : i32
        %convert_element_type3A_321 = arith.extui %ge3A_320 : i1 to i32
        %cond3A_322 = arith.constant 0 : i32
        %cond3A_323 = arith.cmpi ne, %convert_element_type3A_321, %cond3A_322 : i32
        scf.if %cond3A_323 {
          %dma_wait3A_332 = arith.constant 0 : i32
          %dma_wait3A_333 = tpu.memref_slice %arg4[%mul3A_2, %dma_wait3A_332] : memref<320000x128xf32, #tpu.memory_space<hbm>> -> memref<80x128xf32, #tpu.memory_space<hbm>>
          %dma_wait3A_334 = arith.constant 0 : i32
          %dma_wait3A_335 = tpu.memref_slice %arg4[%mul3A_2, %dma_wait3A_334] : memref<320000x128xf32, #tpu.memory_space<hbm>> -> memref<80x128xf32, #tpu.memory_space<hbm>>
          tpu.wait_dma2 semaphore(%arg28 : memref<!tpu.dma_semaphore, #tpu.memory_space<semaphore_mem>>) src(%arg12 : memref<80x128xf32, #tpu.memory_space<vmem>>) dst(%dma_wait3A_335 : memref<80x128xf32, #tpu.memory_space<hbm>>)
        } else {
        }
        %add3A_324 = arith.constant 4 : i32
        %add3A_325 = arith.addi %add3A_179, %add3A_324 : i32
        %mul3A_326 = arith.constant 80 : i32
        %mul3A_327 = arith.muli %add3A_325, %mul3A_326 : i32
        %dma_start3A_328 = tpu.memref_slice %arg5[%mul3A_327] : memref<10000xi32, #tpu.memory_space<vmem>> -> memref<80xi32, #tpu.memory_space<vmem>>
        %dma_start3A_329 = arith.constant 0 : i32
        %dma_start3A_330 = arith.constant 0 : i32
        %dma_start3A_331 = tpu.memref_slice %arg3[%dma_start3A_329, %dma_start3A_330] : memref<10000x128xf32, #tpu.memory_space<hbm>> -> memref<10000x128xf32, #tpu.memory_space<hbm>>
        tpu.enqueue_indirect_dma source(%dma_start3A_331 : memref<10000x128xf32, #tpu.memory_space<hbm>>) target(%arg12 : memref<80x128xf32, #tpu.memory_space<vmem>>) offsets(%dma_start3A_328 : memref<80xi32, #tpu.memory_space<vmem>>) semaphore(%arg20 : memref<!tpu.dma_semaphore, #tpu.memory_space<semaphore_mem>>)
      } else {
      }
      %mul3A_200 = arith.constant 8 : i32
      %mul3A_201 = arith.muli %add3A_130, %mul3A_200 : i32
      %add3A_202 = arith.constant 3 : i32
      %add3A_203 = arith.addi %mul3A_201, %add3A_202 : i32
      %dma_wait3A_204 = arith.constant 0 : i32
      %dma_wait3A_205 = arith.constant 0 : i32
      %dma_wait3A_206 = tpu.memref_slice %arg3[%dma_wait3A_204, %dma_wait3A_205] : memref<10000x128xf32, #tpu.memory_space<hbm>> -> memref<80x128xf32, #tpu.memory_space<hbm>>
      %dma_wait3A_207 = arith.constant 0 : i32
      %dma_wait3A_208 = arith.constant 0 : i32
      %dma_wait3A_209 = tpu.memref_slice %arg3[%dma_wait3A_207, %dma_wait3A_208] : memref<10000x128xf32, #tpu.memory_space<hbm>> -> memref<80x128xf32, #tpu.memory_space<hbm>>
      tpu.wait_dma2 semaphore(%arg17 : memref<!tpu.dma_semaphore, #tpu.memory_space<semaphore_mem>>) src(%dma_wait3A_209 : memref<80x128xf32, #tpu.memory_space<hbm>>) dst(%arg9 : memref<80x128xf32, #tpu.memory_space<vmem>>)
      %mul3A_210 = arith.constant 80 : i32
      %mul3A_211 = arith.muli %add3A_203, %mul3A_210 : i32
      %add3A_212 = arith.addi %mul3A_2, %mul3A_211 : i32
      %dma_start3A_213 = arith.constant 0 : i32
      %dma_start3A_214 = tpu.memref_slice %arg4[%add3A_212, %dma_start3A_213] : memref<320000x128xf32, #tpu.memory_space<hbm>> -> memref<80x128xf32, #tpu.memory_space<hbm>>
      %dma_start3A_215 = arith.constant 0 : i32
      %dma_start3A_216 = tpu.memref_slice %arg4[%add3A_212, %dma_start3A_215] : memref<320000x128xf32, #tpu.memory_space<hbm>> -> memref<80x128xf32, #tpu.memory_space<hbm>>
      tpu.enqueue_dma source(%arg9 : memref<80x128xf32, #tpu.memory_space<vmem>>) target(%dma_start3A_216 : memref<80x128xf32, #tpu.memory_space<hbm>>) target_semaphore(%arg25 : memref<!tpu.dma_semaphore, #tpu.memory_space<semaphore_mem>>)
      %add3A_217 = arith.constant 4 : i32
      %add3A_218 = arith.addi %add3A_203, %add3A_217 : i32
      %lt3A_219 = arith.constant 125 : i32
      %lt3A_220 = arith.cmpi slt, %add3A_218, %lt3A_219 : i32
      %convert_element_type3A_221 = arith.extui %lt3A_220 : i1 to i32
      %cond3A_222 = arith.constant 0 : i32
      %cond3A_223 = arith.cmpi ne, %convert_element_type3A_221, %cond3A_222 : i32
      scf.if %cond3A_223 {
        %ge3A = arith.constant 4 : i32
        %ge3A_320 = arith.cmpi sge, %add3A_203, %ge3A : i32
        %convert_element_type3A_321 = arith.extui %ge3A_320 : i1 to i32
        %cond3A_322 = arith.constant 0 : i32
        %cond3A_323 = arith.cmpi ne, %convert_element_type3A_321, %cond3A_322 : i32
        scf.if %cond3A_323 {
          %dma_wait3A_332 = arith.constant 0 : i32
          %dma_wait3A_333 = tpu.memref_slice %arg4[%mul3A_2, %dma_wait3A_332] : memref<320000x128xf32, #tpu.memory_space<hbm>> -> memref<80x128xf32, #tpu.memory_space<hbm>>
          %dma_wait3A_334 = arith.constant 0 : i32
          %dma_wait3A_335 = tpu.memref_slice %arg4[%mul3A_2, %dma_wait3A_334] : memref<320000x128xf32, #tpu.memory_space<hbm>> -> memref<80x128xf32, #tpu.memory_space<hbm>>
          tpu.wait_dma2 semaphore(%arg29 : memref<!tpu.dma_semaphore, #tpu.memory_space<semaphore_mem>>) src(%arg13 : memref<80x128xf32, #tpu.memory_space<vmem>>) dst(%dma_wait3A_335 : memref<80x128xf32, #tpu.memory_space<hbm>>)
        } else {
        }
        %add3A_324 = arith.constant 4 : i32
        %add3A_325 = arith.addi %add3A_203, %add3A_324 : i32
        %mul3A_326 = arith.constant 80 : i32
        %mul3A_327 = arith.muli %add3A_325, %mul3A_326 : i32
        %dma_start3A_328 = tpu.memref_slice %arg5[%mul3A_327] : memref<10000xi32, #tpu.memory_space<vmem>> -> memref<80xi32, #tpu.memory_space<vmem>>
        %dma_start3A_329 = arith.constant 0 : i32
        %dma_start3A_330 = arith.constant 0 : i32
        %dma_start3A_331 = tpu.memref_slice %arg3[%dma_start3A_329, %dma_start3A_330] : memref<10000x128xf32, #tpu.memory_space<hbm>> -> memref<10000x128xf32, #tpu.memory_space<hbm>>
        tpu.enqueue_indirect_dma source(%dma_start3A_331 : memref<10000x128xf32, #tpu.memory_space<hbm>>) target(%arg13 : memref<80x128xf32, #tpu.memory_space<vmem>>) offsets(%dma_start3A_328 : memref<80xi32, #tpu.memory_space<vmem>>) semaphore(%arg21 : memref<!tpu.dma_semaphore, #tpu.memory_space<semaphore_mem>>)
      } else {
      }
      %mul3A_224 = arith.constant 8 : i32
      %mul3A_225 = arith.muli %add3A_130, %mul3A_224 : i32
      %add3A_226 = arith.constant 4 : i32
      %add3A_227 = arith.addi %mul3A_225, %add3A_226 : i32
      %dma_wait3A_228 = arith.constant 0 : i32
      %dma_wait3A_229 = arith.constant 0 : i32
      %dma_wait3A_230 = tpu.memref_slice %arg3[%dma_wait3A_228, %dma_wait3A_229] : memref<10000x128xf32, #tpu.memory_space<hbm>> -> memref<80x128xf32, #tpu.memory_space<hbm>>
      %dma_wait3A_231 = arith.constant 0 : i32
      %dma_wait3A_232 = arith.constant 0 : i32
      %dma_wait3A_233 = tpu.memref_slice %arg3[%dma_wait3A_231, %dma_wait3A_232] : memref<10000x128xf32, #tpu.memory_space<hbm>> -> memref<80x128xf32, #tpu.memory_space<hbm>>
      tpu.wait_dma2 semaphore(%arg18 : memref<!tpu.dma_semaphore, #tpu.memory_space<semaphore_mem>>) src(%dma_wait3A_233 : memref<80x128xf32, #tpu.memory_space<hbm>>) dst(%arg10 : memref<80x128xf32, #tpu.memory_space<vmem>>)
      %mul3A_234 = arith.constant 80 : i32
      %mul3A_235 = arith.muli %add3A_227, %mul3A_234 : i32
      %add3A_236 = arith.addi %mul3A_2, %mul3A_235 : i32
      %dma_start3A_237 = arith.constant 0 : i32
      %dma_start3A_238 = tpu.memref_slice %arg4[%add3A_236, %dma_start3A_237] : memref<320000x128xf32, #tpu.memory_space<hbm>> -> memref<80x128xf32, #tpu.memory_space<hbm>>
      %dma_start3A_239 = arith.constant 0 : i32
      %dma_start3A_240 = tpu.memref_slice %arg4[%add3A_236, %dma_start3A_239] : memref<320000x128xf32, #tpu.memory_space<hbm>> -> memref<80x128xf32, #tpu.memory_space<hbm>>
      tpu.enqueue_dma source(%arg10 : memref<80x128xf32, #tpu.memory_space<vmem>>) target(%dma_start3A_240 : memref<80x128xf32, #tpu.memory_space<hbm>>) target_semaphore(%arg26 : memref<!tpu.dma_semaphore, #tpu.memory_space<semaphore_mem>>)
      %add3A_241 = arith.constant 4 : i32
      %add3A_242 = arith.addi %add3A_227, %add3A_241 : i32
      %lt3A_243 = arith.constant 125 : i32
      %lt3A_244 = arith.cmpi slt, %add3A_242, %lt3A_243 : i32
      %convert_element_type3A_245 = arith.extui %lt3A_244 : i1 to i32
      %cond3A_246 = arith.constant 0 : i32
      %cond3A_247 = arith.cmpi ne, %convert_element_type3A_245, %cond3A_246 : i32
      scf.if %cond3A_247 {
        %ge3A = arith.constant 4 : i32
        %ge3A_320 = arith.cmpi sge, %add3A_227, %ge3A : i32
        %convert_element_type3A_321 = arith.extui %ge3A_320 : i1 to i32
        %cond3A_322 = arith.constant 0 : i32
        %cond3A_323 = arith.cmpi ne, %convert_element_type3A_321, %cond3A_322 : i32
        scf.if %cond3A_323 {
          %dma_wait3A_332 = arith.constant 0 : i32
          %dma_wait3A_333 = tpu.memref_slice %arg4[%mul3A_2, %dma_wait3A_332] : memref<320000x128xf32, #tpu.memory_space<hbm>> -> memref<80x128xf32, #tpu.memory_space<hbm>>
          %dma_wait3A_334 = arith.constant 0 : i32
          %dma_wait3A_335 = tpu.memref_slice %arg4[%mul3A_2, %dma_wait3A_334] : memref<320000x128xf32, #tpu.memory_space<hbm>> -> memref<80x128xf32, #tpu.memory_space<hbm>>
          tpu.wait_dma2 semaphore(%arg22 : memref<!tpu.dma_semaphore, #tpu.memory_space<semaphore_mem>>) src(%arg6 : memref<80x128xf32, #tpu.memory_space<vmem>>) dst(%dma_wait3A_335 : memref<80x128xf32, #tpu.memory_space<hbm>>)
        } else {
        }
        %add3A_324 = arith.constant 4 : i32
        %add3A_325 = arith.addi %add3A_227, %add3A_324 : i32
        %mul3A_326 = arith.constant 80 : i32
        %mul3A_327 = arith.muli %add3A_325, %mul3A_326 : i32
        %dma_start3A_328 = tpu.memref_slice %arg5[%mul3A_327] : memref<10000xi32, #tpu.memory_space<vmem>> -> memref<80xi32, #tpu.memory_space<vmem>>
        %dma_start3A_329 = arith.constant 0 : i32
        %dma_start3A_330 = arith.constant 0 : i32
        %dma_start3A_331 = tpu.memref_slice %arg3[%dma_start3A_329, %dma_start3A_330] : memref<10000x128xf32, #tpu.memory_space<hbm>> -> memref<10000x128xf32, #tpu.memory_space<hbm>>
        tpu.enqueue_indirect_dma source(%dma_start3A_331 : memref<10000x128xf32, #tpu.memory_space<hbm>>) target(%arg6 : memref<80x128xf32, #tpu.memory_space<vmem>>) offsets(%dma_start3A_328 : memref<80xi32, #tpu.memory_space<vmem>>) semaphore(%arg14 : memref<!tpu.dma_semaphore, #tpu.memory_space<semaphore_mem>>)
      } else {
      }
      %mul3A_248 = arith.constant 8 : i32
      %mul3A_249 = arith.muli %add3A_130, %mul3A_248 : i32
      %add3A_250 = arith.constant 5 : i32
      %add3A_251 = arith.addi %mul3A_249, %add3A_250 : i32
      %dma_wait3A_252 = arith.constant 0 : i32
      %dma_wait3A_253 = arith.constant 0 : i32
      %dma_wait3A_254 = tpu.memref_slice %arg3[%dma_wait3A_252, %dma_wait3A_253] : memref<10000x128xf32, #tpu.memory_space<hbm>> -> memref<80x128xf32, #tpu.memory_space<hbm>>
      %dma_wait3A_255 = arith.constant 0 : i32
      %dma_wait3A_256 = arith.constant 0 : i32
      %dma_wait3A_257 = tpu.memref_slice %arg3[%dma_wait3A_255, %dma_wait3A_256] : memref<10000x128xf32, #tpu.memory_space<hbm>> -> memref<80x128xf32, #tpu.memory_space<hbm>>
      tpu.wait_dma2 semaphore(%arg19 : memref<!tpu.dma_semaphore, #tpu.memory_space<semaphore_mem>>) src(%dma_wait3A_257 : memref<80x128xf32, #tpu.memory_space<hbm>>) dst(%arg11 : memref<80x128xf32, #tpu.memory_space<vmem>>)
      %mul3A_258 = arith.constant 80 : i32
      %mul3A_259 = arith.muli %add3A_251, %mul3A_258 : i32
      %add3A_260 = arith.addi %mul3A_2, %mul3A_259 : i32
      %dma_start3A_261 = arith.constant 0 : i32
      %dma_start3A_262 = tpu.memref_slice %arg4[%add3A_260, %dma_start3A_261] : memref<320000x128xf32, #tpu.memory_space<hbm>> -> memref<80x128xf32, #tpu.memory_space<hbm>>
      %dma_start3A_263 = arith.constant 0 : i32
      %dma_start3A_264 = tpu.memref_slice %arg4[%add3A_260, %dma_start3A_263] : memref<320000x128xf32, #tpu.memory_space<hbm>> -> memref<80x128xf32, #tpu.memory_space<hbm>>
      tpu.enqueue_dma source(%arg11 : memref<80x128xf32, #tpu.memory_space<vmem>>) target(%dma_start3A_264 : memref<80x128xf32, #tpu.memory_space<hbm>>) target_semaphore(%arg27 : memref<!tpu.dma_semaphore, #tpu.memory_space<semaphore_mem>>)
      %add3A_265 = arith.constant 4 : i32
      %add3A_266 = arith.addi %add3A_251, %add3A_265 : i32
      %lt3A_267 = arith.constant 125 : i32
      %lt3A_268 = arith.cmpi slt, %add3A_266, %lt3A_267 : i32
      %convert_element_type3A_269 = arith.extui %lt3A_268 : i1 to i32
      %cond3A_270 = arith.constant 0 : i32
      %cond3A_271 = arith.cmpi ne, %convert_element_type3A_269, %cond3A_270 : i32
      scf.if %cond3A_271 {
        %ge3A = arith.constant 4 : i32
        %ge3A_320 = arith.cmpi sge, %add3A_251, %ge3A : i32
        %convert_element_type3A_321 = arith.extui %ge3A_320 : i1 to i32
        %cond3A_322 = arith.constant 0 : i32
        %cond3A_323 = arith.cmpi ne, %convert_element_type3A_321, %cond3A_322 : i32
        scf.if %cond3A_323 {
          %dma_wait3A_332 = arith.constant 0 : i32
          %dma_wait3A_333 = tpu.memref_slice %arg4[%mul3A_2, %dma_wait3A_332] : memref<320000x128xf32, #tpu.memory_space<hbm>> -> memref<80x128xf32, #tpu.memory_space<hbm>>
          %dma_wait3A_334 = arith.constant 0 : i32
          %dma_wait3A_335 = tpu.memref_slice %arg4[%mul3A_2, %dma_wait3A_334] : memref<320000x128xf32, #tpu.memory_space<hbm>> -> memref<80x128xf32, #tpu.memory_space<hbm>>
          tpu.wait_dma2 semaphore(%arg23 : memref<!tpu.dma_semaphore, #tpu.memory_space<semaphore_mem>>) src(%arg7 : memref<80x128xf32, #tpu.memory_space<vmem>>) dst(%dma_wait3A_335 : memref<80x128xf32, #tpu.memory_space<hbm>>)
        } else {
        }
        %add3A_324 = arith.constant 4 : i32
        %add3A_325 = arith.addi %add3A_251, %add3A_324 : i32
        %mul3A_326 = arith.constant 80 : i32
        %mul3A_327 = arith.muli %add3A_325, %mul3A_326 : i32
        %dma_start3A_328 = tpu.memref_slice %arg5[%mul3A_327] : memref<10000xi32, #tpu.memory_space<vmem>> -> memref<80xi32, #tpu.memory_space<vmem>>
        %dma_start3A_329 = arith.constant 0 : i32
        %dma_start3A_330 = arith.constant 0 : i32
        %dma_start3A_331 = tpu.memref_slice %arg3[%dma_start3A_329, %dma_start3A_330] : memref<10000x128xf32, #tpu.memory_space<hbm>> -> memref<10000x128xf32, #tpu.memory_space<hbm>>
        tpu.enqueue_indirect_dma source(%dma_start3A_331 : memref<10000x128xf32, #tpu.memory_space<hbm>>) target(%arg7 : memref<80x128xf32, #tpu.memory_space<vmem>>) offsets(%dma_start3A_328 : memref<80xi32, #tpu.memory_space<vmem>>) semaphore(%arg15 : memref<!tpu.dma_semaphore, #tpu.memory_space<semaphore_mem>>)
      } else {
      }
      %mul3A_272 = arith.constant 8 : i32
      %mul3A_273 = arith.muli %add3A_130, %mul3A_272 : i32
      %add3A_274 = arith.constant 6 : i32
      %add3A_275 = arith.addi %mul3A_273, %add3A_274 : i32
      %dma_wait3A_276 = arith.constant 0 : i32
      %dma_wait3A_277 = arith.constant 0 : i32
      %dma_wait3A_278 = tpu.memref_slice %arg3[%dma_wait3A_276, %dma_wait3A_277] : memref<10000x128xf32, #tpu.memory_space<hbm>> -> memref<80x128xf32, #tpu.memory_space<hbm>>
      %dma_wait3A_279 = arith.constant 0 : i32
      %dma_wait3A_280 = arith.constant 0 : i32
      %dma_wait3A_281 = tpu.memref_slice %arg3[%dma_wait3A_279, %dma_wait3A_280] : memref<10000x128xf32, #tpu.memory_space<hbm>> -> memref<80x128xf32, #tpu.memory_space<hbm>>
      tpu.wait_dma2 semaphore(%arg20 : memref<!tpu.dma_semaphore, #tpu.memory_space<semaphore_mem>>) src(%dma_wait3A_281 : memref<80x128xf32, #tpu.memory_space<hbm>>) dst(%arg12 : memref<80x128xf32, #tpu.memory_space<vmem>>)
      %mul3A_282 = arith.constant 80 : i32
      %mul3A_283 = arith.muli %add3A_275, %mul3A_282 : i32
      %add3A_284 = arith.addi %mul3A_2, %mul3A_283 : i32
      %dma_start3A_285 = arith.constant 0 : i32
      %dma_start3A_286 = tpu.memref_slice %arg4[%add3A_284, %dma_start3A_285] : memref<320000x128xf32, #tpu.memory_space<hbm>> -> memref<80x128xf32, #tpu.memory_space<hbm>>
      %dma_start3A_287 = arith.constant 0 : i32
      %dma_start3A_288 = tpu.memref_slice %arg4[%add3A_284, %dma_start3A_287] : memref<320000x128xf32, #tpu.memory_space<hbm>> -> memref<80x128xf32, #tpu.memory_space<hbm>>
      tpu.enqueue_dma source(%arg12 : memref<80x128xf32, #tpu.memory_space<vmem>>) target(%dma_start3A_288 : memref<80x128xf32, #tpu.memory_space<hbm>>) target_semaphore(%arg28 : memref<!tpu.dma_semaphore, #tpu.memory_space<semaphore_mem>>)
      %add3A_289 = arith.constant 4 : i32
      %add3A_290 = arith.addi %add3A_275, %add3A_289 : i32
      %lt3A_291 = arith.constant 125 : i32
      %lt3A_292 = arith.cmpi slt, %add3A_290, %lt3A_291 : i32
      %convert_element_type3A_293 = arith.extui %lt3A_292 : i1 to i32
      %cond3A_294 = arith.constant 0 : i32
      %cond3A_295 = arith.cmpi ne, %convert_element_type3A_293, %cond3A_294 : i32
      scf.if %cond3A_295 {
        %ge3A = arith.constant 4 : i32
        %ge3A_320 = arith.cmpi sge, %add3A_275, %ge3A : i32
        %convert_element_type3A_321 = arith.extui %ge3A_320 : i1 to i32
        %cond3A_322 = arith.constant 0 : i32
        %cond3A_323 = arith.cmpi ne, %convert_element_type3A_321, %cond3A_322 : i32
        scf.if %cond3A_323 {
          %dma_wait3A_332 = arith.constant 0 : i32
          %dma_wait3A_333 = tpu.memref_slice %arg4[%mul3A_2, %dma_wait3A_332] : memref<320000x128xf32, #tpu.memory_space<hbm>> -> memref<80x128xf32, #tpu.memory_space<hbm>>
          %dma_wait3A_334 = arith.constant 0 : i32
          %dma_wait3A_335 = tpu.memref_slice %arg4[%mul3A_2, %dma_wait3A_334] : memref<320000x128xf32, #tpu.memory_space<hbm>> -> memref<80x128xf32, #tpu.memory_space<hbm>>
          tpu.wait_dma2 semaphore(%arg24 : memref<!tpu.dma_semaphore, #tpu.memory_space<semaphore_mem>>) src(%arg8 : memref<80x128xf32, #tpu.memory_space<vmem>>) dst(%dma_wait3A_335 : memref<80x128xf32, #tpu.memory_space<hbm>>)
        } else {
        }
        %add3A_324 = arith.constant 4 : i32
        %add3A_325 = arith.addi %add3A_275, %add3A_324 : i32
        %mul3A_326 = arith.constant 80 : i32
        %mul3A_327 = arith.muli %add3A_325, %mul3A_326 : i32
        %dma_start3A_328 = tpu.memref_slice %arg5[%mul3A_327] : memref<10000xi32, #tpu.memory_space<vmem>> -> memref<80xi32, #tpu.memory_space<vmem>>
        %dma_start3A_329 = arith.constant 0 : i32
        %dma_start3A_330 = arith.constant 0 : i32
        %dma_start3A_331 = tpu.memref_slice %arg3[%dma_start3A_329, %dma_start3A_330] : memref<10000x128xf32, #tpu.memory_space<hbm>> -> memref<10000x128xf32, #tpu.memory_space<hbm>>
        tpu.enqueue_indirect_dma source(%dma_start3A_331 : memref<10000x128xf32, #tpu.memory_space<hbm>>) target(%arg8 : memref<80x128xf32, #tpu.memory_space<vmem>>) offsets(%dma_start3A_328 : memref<80xi32, #tpu.memory_space<vmem>>) semaphore(%arg16 : memref<!tpu.dma_semaphore, #tpu.memory_space<semaphore_mem>>)
      } else {
      }
      %mul3A_296 = arith.constant 8 : i32
      %mul3A_297 = arith.muli %add3A_130, %mul3A_296 : i32
      %add3A_298 = arith.constant 7 : i32
      %add3A_299 = arith.addi %mul3A_297, %add3A_298 : i32
      %dma_wait3A_300 = arith.constant 0 : i32
      %dma_wait3A_301 = arith.constant 0 : i32
      %dma_wait3A_302 = tpu.memref_slice %arg3[%dma_wait3A_300, %dma_wait3A_301] : memref<10000x128xf32, #tpu.memory_space<hbm>> -> memref<80x128xf32, #tpu.memory_space<hbm>>
      %dma_wait3A_303 = arith.constant 0 : i32
      %dma_wait3A_304 = arith.constant 0 : i32
      %dma_wait3A_305 = tpu.memref_slice %arg3[%dma_wait3A_303, %dma_wait3A_304] : memref<10000x128xf32, #tpu.memory_space<hbm>> -> memref<80x128xf32, #tpu.memory_space<hbm>>
      tpu.wait_dma2 semaphore(%arg21 : memref<!tpu.dma_semaphore, #tpu.memory_space<semaphore_mem>>) src(%dma_wait3A_305 : memref<80x128xf32, #tpu.memory_space<hbm>>) dst(%arg13 : memref<80x128xf32, #tpu.memory_space<vmem>>)
      %mul3A_306 = arith.constant 80 : i32
      %mul3A_307 = arith.muli %add3A_299, %mul3A_306 : i32
      %add3A_308 = arith.addi %mul3A_2, %mul3A_307 : i32
      %dma_start3A_309 = arith.constant 0 : i32
      %dma_start3A_310 = tpu.memref_slice %arg4[%add3A_308, %dma_start3A_309] : memref<320000x128xf32, #tpu.memory_space<hbm>> -> memref<80x128xf32, #tpu.memory_space<hbm>>
      %dma_start3A_311 = arith.constant 0 : i32
      %dma_start3A_312 = tpu.memref_slice %arg4[%add3A_308, %dma_start3A_311] : memref<320000x128xf32, #tpu.memory_space<hbm>> -> memref<80x128xf32, #tpu.memory_space<hbm>>
      tpu.enqueue_dma source(%arg13 : memref<80x128xf32, #tpu.memory_space<vmem>>) target(%dma_start3A_312 : memref<80x128xf32, #tpu.memory_space<hbm>>) target_semaphore(%arg29 : memref<!tpu.dma_semaphore, #tpu.memory_space<semaphore_mem>>)
      %add3A_313 = arith.constant 4 : i32
      %add3A_314 = arith.addi %add3A_299, %add3A_313 : i32
      %lt3A_315 = arith.constant 125 : i32
      %lt3A_316 = arith.cmpi slt, %add3A_314, %lt3A_315 : i32
      %convert_element_type3A_317 = arith.extui %lt3A_316 : i1 to i32
      %cond3A_318 = arith.constant 0 : i32
      %cond3A_319 = arith.cmpi ne, %convert_element_type3A_317, %cond3A_318 : i32
      scf.if %cond3A_319 {
        %ge3A = arith.constant 4 : i32
        %ge3A_320 = arith.cmpi sge, %add3A_299, %ge3A : i32
        %convert_element_type3A_321 = arith.extui %ge3A_320 : i1 to i32
        %cond3A_322 = arith.constant 0 : i32
        %cond3A_323 = arith.cmpi ne, %convert_element_type3A_321, %cond3A_322 : i32
        scf.if %cond3A_323 {
          %dma_wait3A_332 = arith.constant 0 : i32
          %dma_wait3A_333 = tpu.memref_slice %arg4[%mul3A_2, %dma_wait3A_332] : memref<320000x128xf32, #tpu.memory_space<hbm>> -> memref<80x128xf32, #tpu.memory_space<hbm>>
          %dma_wait3A_334 = arith.constant 0 : i32
          %dma_wait3A_335 = tpu.memref_slice %arg4[%mul3A_2, %dma_wait3A_334] : memref<320000x128xf32, #tpu.memory_space<hbm>> -> memref<80x128xf32, #tpu.memory_space<hbm>>
          tpu.wait_dma2 semaphore(%arg25 : memref<!tpu.dma_semaphore, #tpu.memory_space<semaphore_mem>>) src(%arg9 : memref<80x128xf32, #tpu.memory_space<vmem>>) dst(%dma_wait3A_335 : memref<80x128xf32, #tpu.memory_space<hbm>>)
        } else {
        }
        %add3A_324 = arith.constant 4 : i32
        %add3A_325 = arith.addi %add3A_299, %add3A_324 : i32
        %mul3A_326 = arith.constant 80 : i32
        %mul3A_327 = arith.muli %add3A_325, %mul3A_326 : i32
        %dma_start3A_328 = tpu.memref_slice %arg5[%mul3A_327] : memref<10000xi32, #tpu.memory_space<vmem>> -> memref<80xi32, #tpu.memory_space<vmem>>
        %dma_start3A_329 = arith.constant 0 : i32
        %dma_start3A_330 = arith.constant 0 : i32
        %dma_start3A_331 = tpu.memref_slice %arg3[%dma_start3A_329, %dma_start3A_330] : memref<10000x128xf32, #tpu.memory_space<hbm>> -> memref<10000x128xf32, #tpu.memory_space<hbm>>
        tpu.enqueue_indirect_dma source(%dma_start3A_331 : memref<10000x128xf32, #tpu.memory_space<hbm>>) target(%arg9 : memref<80x128xf32, #tpu.memory_space<vmem>>) offsets(%dma_start3A_328 : memref<80xi32, #tpu.memory_space<vmem>>) semaphore(%arg17 : memref<!tpu.dma_semaphore, #tpu.memory_space<semaphore_mem>>)
      } else {
      }
    }
    %scan3A_25 = arith.constant 15 : i32
    %dma_wait3A = arith.constant 0 : i32
    %dma_wait3A_26 = arith.constant 0 : i32
    %dma_wait3A_27 = tpu.memref_slice %arg3[%dma_wait3A, %dma_wait3A_26] : memref<10000x128xf32, #tpu.memory_space<hbm>> -> memref<80x128xf32, #tpu.memory_space<hbm>>
    %dma_wait3A_28 = arith.constant 0 : i32
    %dma_wait3A_29 = arith.constant 0 : i32
    %dma_wait3A_30 = tpu.memref_slice %arg3[%dma_wait3A_28, %dma_wait3A_29] : memref<10000x128xf32, #tpu.memory_space<hbm>> -> memref<80x128xf32, #tpu.memory_space<hbm>>
    tpu.wait_dma2 semaphore(%arg14 : memref<!tpu.dma_semaphore, #tpu.memory_space<semaphore_mem>>) src(%dma_wait3A_30 : memref<80x128xf32, #tpu.memory_space<hbm>>) dst(%arg6 : memref<80x128xf32, #tpu.memory_space<vmem>>)
    %add3A_31 = arith.constant 9600 : i32
    %add3A_32 = arith.addi %mul3A_2, %add3A_31 : i32
    %dma_start3A_33 = arith.constant 0 : i32
    %dma_start3A_34 = tpu.memref_slice %arg4[%add3A_32, %dma_start3A_33] : memref<320000x128xf32, #tpu.memory_space<hbm>> -> memref<80x128xf32, #tpu.memory_space<hbm>>
    %dma_start3A_35 = arith.constant 0 : i32
    %dma_start3A_36 = tpu.memref_slice %arg4[%add3A_32, %dma_start3A_35] : memref<320000x128xf32, #tpu.memory_space<hbm>> -> memref<80x128xf32, #tpu.memory_space<hbm>>
    tpu.enqueue_dma source(%arg6 : memref<80x128xf32, #tpu.memory_space<vmem>>) target(%dma_start3A_36 : memref<80x128xf32, #tpu.memory_space<hbm>>) target_semaphore(%arg22 : memref<!tpu.dma_semaphore, #tpu.memory_space<semaphore_mem>>)
    %dma_wait3A_37 = arith.constant 0 : i32
    %dma_wait3A_38 = tpu.memref_slice %arg4[%mul3A_2, %dma_wait3A_37] : memref<320000x128xf32, #tpu.memory_space<hbm>> -> memref<80x128xf32, #tpu.memory_space<hbm>>
    %dma_wait3A_39 = arith.constant 0 : i32
    %dma_wait3A_40 = tpu.memref_slice %arg4[%mul3A_2, %dma_wait3A_39] : memref<320000x128xf32, #tpu.memory_space<hbm>> -> memref<80x128xf32, #tpu.memory_space<hbm>>
    tpu.wait_dma2 semaphore(%arg26 : memref<!tpu.dma_semaphore, #tpu.memory_space<semaphore_mem>>) src(%arg10 : memref<80x128xf32, #tpu.memory_space<vmem>>) dst(%dma_wait3A_40 : memref<80x128xf32, #tpu.memory_space<hbm>>)
    %dma_start3A_41 = arith.constant 9920 : i32
    %dma_start3A_42 = tpu.memref_slice %arg5[%dma_start3A_41] : memref<10000xi32, #tpu.memory_space<vmem>> -> memref<80xi32, #tpu.memory_space<vmem>>
    %dma_start3A_43 = arith.constant 0 : i32
    %dma_start3A_44 = arith.constant 0 : i32
    %dma_start3A_45 = tpu.memref_slice %arg3[%dma_start3A_43, %dma_start3A_44] : memref<10000x128xf32, #tpu.memory_space<hbm>> -> memref<10000x128xf32, #tpu.memory_space<hbm>>
    tpu.enqueue_indirect_dma source(%dma_start3A_45 : memref<10000x128xf32, #tpu.memory_space<hbm>>) target(%arg10 : memref<80x128xf32, #tpu.memory_space<vmem>>) offsets(%dma_start3A_42 : memref<80xi32, #tpu.memory_space<vmem>>) semaphore(%arg18 : memref<!tpu.dma_semaphore, #tpu.memory_space<semaphore_mem>>)
    %dma_wait3A_46 = arith.constant 0 : i32
    %dma_wait3A_47 = arith.constant 0 : i32
    %dma_wait3A_48 = tpu.memref_slice %arg3[%dma_wait3A_46, %dma_wait3A_47] : memref<10000x128xf32, #tpu.memory_space<hbm>> -> memref<80x128xf32, #tpu.memory_space<hbm>>
    %dma_wait3A_49 = arith.constant 0 : i32
    %dma_wait3A_50 = arith.constant 0 : i32
    %dma_wait3A_51 = tpu.memref_slice %arg3[%dma_wait3A_49, %dma_wait3A_50] : memref<10000x128xf32, #tpu.memory_space<hbm>> -> memref<80x128xf32, #tpu.memory_space<hbm>>
    tpu.wait_dma2 semaphore(%arg15 : memref<!tpu.dma_semaphore, #tpu.memory_space<semaphore_mem>>) src(%dma_wait3A_51 : memref<80x128xf32, #tpu.memory_space<hbm>>) dst(%arg7 : memref<80x128xf32, #tpu.memory_space<vmem>>)
    %add3A_52 = arith.constant 9680 : i32
    %add3A_53 = arith.addi %mul3A_2, %add3A_52 : i32
    %dma_start3A_54 = arith.constant 0 : i32
    %dma_start3A_55 = tpu.memref_slice %arg4[%add3A_53, %dma_start3A_54] : memref<320000x128xf32, #tpu.memory_space<hbm>> -> memref<80x128xf32, #tpu.memory_space<hbm>>
    %dma_start3A_56 = arith.constant 0 : i32
    %dma_start3A_57 = tpu.memref_slice %arg4[%add3A_53, %dma_start3A_56] : memref<320000x128xf32, #tpu.memory_space<hbm>> -> memref<80x128xf32, #tpu.memory_space<hbm>>
    tpu.enqueue_dma source(%arg7 : memref<80x128xf32, #tpu.memory_space<vmem>>) target(%dma_start3A_57 : memref<80x128xf32, #tpu.memory_space<hbm>>) target_semaphore(%arg23 : memref<!tpu.dma_semaphore, #tpu.memory_space<semaphore_mem>>)
    %dma_wait3A_58 = arith.constant 0 : i32
    %dma_wait3A_59 = arith.constant 0 : i32
    %dma_wait3A_60 = tpu.memref_slice %arg3[%dma_wait3A_58, %dma_wait3A_59] : memref<10000x128xf32, #tpu.memory_space<hbm>> -> memref<80x128xf32, #tpu.memory_space<hbm>>
    %dma_wait3A_61 = arith.constant 0 : i32
    %dma_wait3A_62 = arith.constant 0 : i32
    %dma_wait3A_63 = tpu.memref_slice %arg3[%dma_wait3A_61, %dma_wait3A_62] : memref<10000x128xf32, #tpu.memory_space<hbm>> -> memref<80x128xf32, #tpu.memory_space<hbm>>
    tpu.wait_dma2 semaphore(%arg16 : memref<!tpu.dma_semaphore, #tpu.memory_space<semaphore_mem>>) src(%dma_wait3A_63 : memref<80x128xf32, #tpu.memory_space<hbm>>) dst(%arg8 : memref<80x128xf32, #tpu.memory_space<vmem>>)
    %add3A_64 = arith.constant 9760 : i32
    %add3A_65 = arith.addi %mul3A_2, %add3A_64 : i32
    %dma_start3A_66 = arith.constant 0 : i32
    %dma_start3A_67 = tpu.memref_slice %arg4[%add3A_65, %dma_start3A_66] : memref<320000x128xf32, #tpu.memory_space<hbm>> -> memref<80x128xf32, #tpu.memory_space<hbm>>
    %dma_start3A_68 = arith.constant 0 : i32
    %dma_start3A_69 = tpu.memref_slice %arg4[%add3A_65, %dma_start3A_68] : memref<320000x128xf32, #tpu.memory_space<hbm>> -> memref<80x128xf32, #tpu.memory_space<hbm>>
    tpu.enqueue_dma source(%arg8 : memref<80x128xf32, #tpu.memory_space<vmem>>) target(%dma_start3A_69 : memref<80x128xf32, #tpu.memory_space<hbm>>) target_semaphore(%arg24 : memref<!tpu.dma_semaphore, #tpu.memory_space<semaphore_mem>>)
    %dma_wait3A_70 = arith.constant 0 : i32
    %dma_wait3A_71 = arith.constant 0 : i32
    %dma_wait3A_72 = tpu.memref_slice %arg3[%dma_wait3A_70, %dma_wait3A_71] : memref<10000x128xf32, #tpu.memory_space<hbm>> -> memref<80x128xf32, #tpu.memory_space<hbm>>
    %dma_wait3A_73 = arith.constant 0 : i32
    %dma_wait3A_74 = arith.constant 0 : i32
    %dma_wait3A_75 = tpu.memref_slice %arg3[%dma_wait3A_73, %dma_wait3A_74] : memref<10000x128xf32, #tpu.memory_space<hbm>> -> memref<80x128xf32, #tpu.memory_space<hbm>>
    tpu.wait_dma2 semaphore(%arg17 : memref<!tpu.dma_semaphore, #tpu.memory_space<semaphore_mem>>) src(%dma_wait3A_75 : memref<80x128xf32, #tpu.memory_space<hbm>>) dst(%arg9 : memref<80x128xf32, #tpu.memory_space<vmem>>)
    %add3A_76 = arith.constant 9840 : i32
    %add3A_77 = arith.addi %mul3A_2, %add3A_76 : i32
    %dma_start3A_78 = arith.constant 0 : i32
    %dma_start3A_79 = tpu.memref_slice %arg4[%add3A_77, %dma_start3A_78] : memref<320000x128xf32, #tpu.memory_space<hbm>> -> memref<80x128xf32, #tpu.memory_space<hbm>>
    %dma_start3A_80 = arith.constant 0 : i32
    %dma_start3A_81 = tpu.memref_slice %arg4[%add3A_77, %dma_start3A_80] : memref<320000x128xf32, #tpu.memory_space<hbm>> -> memref<80x128xf32, #tpu.memory_space<hbm>>
    tpu.enqueue_dma source(%arg9 : memref<80x128xf32, #tpu.memory_space<vmem>>) target(%dma_start3A_81 : memref<80x128xf32, #tpu.memory_space<hbm>>) target_semaphore(%arg25 : memref<!tpu.dma_semaphore, #tpu.memory_space<semaphore_mem>>)
    %dma_wait3A_82 = arith.constant 0 : i32
    %dma_wait3A_83 = arith.constant 0 : i32
    %dma_wait3A_84 = tpu.memref_slice %arg3[%dma_wait3A_82, %dma_wait3A_83] : memref<10000x128xf32, #tpu.memory_space<hbm>> -> memref<80x128xf32, #tpu.memory_space<hbm>>
    %dma_wait3A_85 = arith.constant 0 : i32
    %dma_wait3A_86 = arith.constant 0 : i32
    %dma_wait3A_87 = tpu.memref_slice %arg3[%dma_wait3A_85, %dma_wait3A_86] : memref<10000x128xf32, #tpu.memory_space<hbm>> -> memref<80x128xf32, #tpu.memory_space<hbm>>
    tpu.wait_dma2 semaphore(%arg18 : memref<!tpu.dma_semaphore, #tpu.memory_space<semaphore_mem>>) src(%dma_wait3A_87 : memref<80x128xf32, #tpu.memory_space<hbm>>) dst(%arg10 : memref<80x128xf32, #tpu.memory_space<vmem>>)
    %add3A_88 = arith.constant 9920 : i32
    %add3A_89 = arith.addi %mul3A_2, %add3A_88 : i32
    %dma_start3A_90 = arith.constant 0 : i32
    %dma_start3A_91 = tpu.memref_slice %arg4[%add3A_89, %dma_start3A_90] : memref<320000x128xf32, #tpu.memory_space<hbm>> -> memref<80x128xf32, #tpu.memory_space<hbm>>
    %dma_start3A_92 = arith.constant 0 : i32
    %dma_start3A_93 = tpu.memref_slice %arg4[%add3A_89, %dma_start3A_92] : memref<320000x128xf32, #tpu.memory_space<hbm>> -> memref<80x128xf32, #tpu.memory_space<hbm>>
    tpu.enqueue_dma source(%arg10 : memref<80x128xf32, #tpu.memory_space<vmem>>) target(%dma_start3A_93 : memref<80x128xf32, #tpu.memory_space<hbm>>) target_semaphore(%arg26 : memref<!tpu.dma_semaphore, #tpu.memory_space<semaphore_mem>>)
    %dma_wait3A_94 = arith.constant 0 : i32
    %dma_wait3A_95 = tpu.memref_slice %arg4[%mul3A_2, %dma_wait3A_94] : memref<320000x128xf32, #tpu.memory_space<hbm>> -> memref<80x128xf32, #tpu.memory_space<hbm>>
    %dma_wait3A_96 = arith.constant 0 : i32
    %dma_wait3A_97 = tpu.memref_slice %arg4[%mul3A_2, %dma_wait3A_96] : memref<320000x128xf32, #tpu.memory_space<hbm>> -> memref<80x128xf32, #tpu.memory_space<hbm>>
    tpu.wait_dma2 semaphore(%arg27 : memref<!tpu.dma_semaphore, #tpu.memory_space<semaphore_mem>>) src(%arg11 : memref<80x128xf32, #tpu.memory_space<vmem>>) dst(%dma_wait3A_97 : memref<80x128xf32, #tpu.memory_space<hbm>>)
    %dma_wait3A_98 = arith.constant 0 : i32
    %dma_wait3A_99 = tpu.memref_slice %arg4[%mul3A_2, %dma_wait3A_98] : memref<320000x128xf32, #tpu.memory_space<hbm>> -> memref<80x128xf32, #tpu.memory_space<hbm>>
    %dma_wait3A_100 = arith.constant 0 : i32
    %dma_wait3A_101 = tpu.memref_slice %arg4[%mul3A_2, %dma_wait3A_100] : memref<320000x128xf32, #tpu.memory_space<hbm>> -> memref<80x128xf32, #tpu.memory_space<hbm>>
    tpu.wait_dma2 semaphore(%arg28 : memref<!tpu.dma_semaphore, #tpu.memory_space<semaphore_mem>>) src(%arg12 : memref<80x128xf32, #tpu.memory_space<vmem>>) dst(%dma_wait3A_101 : memref<80x128xf32, #tpu.memory_space<hbm>>)
    %dma_wait3A_102 = arith.constant 0 : i32
    %dma_wait3A_103 = tpu.memref_slice %arg4[%mul3A_2, %dma_wait3A_102] : memref<320000x128xf32, #tpu.memory_space<hbm>> -> memref<80x128xf32, #tpu.memory_space<hbm>>
    %dma_wait3A_104 = arith.constant 0 : i32
    %dma_wait3A_105 = tpu.memref_slice %arg4[%mul3A_2, %dma_wait3A_104] : memref<320000x128xf32, #tpu.memory_space<hbm>> -> memref<80x128xf32, #tpu.memory_space<hbm>>
    tpu.wait_dma2 semaphore(%arg29 : memref<!tpu.dma_semaphore, #tpu.memory_space<semaphore_mem>>) src(%arg13 : memref<80x128xf32, #tpu.memory_space<vmem>>) dst(%dma_wait3A_105 : memref<80x128xf32, #tpu.memory_space<hbm>>)
    %dma_wait3A_106 = arith.constant 0 : i32
    %dma_wait3A_107 = tpu.memref_slice %arg4[%mul3A_2, %dma_wait3A_106] : memref<320000x128xf32, #tpu.memory_space<hbm>> -> memref<80x128xf32, #tpu.memory_space<hbm>>
    %dma_wait3A_108 = arith.constant 0 : i32
    %dma_wait3A_109 = tpu.memref_slice %arg4[%mul3A_2, %dma_wait3A_108] : memref<320000x128xf32, #tpu.memory_space<hbm>> -> memref<80x128xf32, #tpu.memory_space<hbm>>
    tpu.wait_dma2 semaphore(%arg22 : memref<!tpu.dma_semaphore, #tpu.memory_space<semaphore_mem>>) src(%arg6 : memref<80x128xf32, #tpu.memory_space<vmem>>) dst(%dma_wait3A_109 : memref<80x128xf32, #tpu.memory_space<hbm>>)
    %dma_wait3A_110 = arith.constant 0 : i32
    %dma_wait3A_111 = tpu.memref_slice %arg4[%mul3A_2, %dma_wait3A_110] : memref<320000x128xf32, #tpu.memory_space<hbm>> -> memref<80x128xf32, #tpu.memory_space<hbm>>
    %dma_wait3A_112 = arith.constant 0 : i32
    %dma_wait3A_113 = tpu.memref_slice %arg4[%mul3A_2, %dma_wait3A_112] : memref<320000x128xf32, #tpu.memory_space<hbm>> -> memref<80x128xf32, #tpu.memory_space<hbm>>
    tpu.wait_dma2 semaphore(%arg23 : memref<!tpu.dma_semaphore, #tpu.memory_space<semaphore_mem>>) src(%arg7 : memref<80x128xf32, #tpu.memory_space<vmem>>) dst(%dma_wait3A_113 : memref<80x128xf32, #tpu.memory_space<hbm>>)
    %dma_wait3A_114 = arith.constant 0 : i32
    %dma_wait3A_115 = tpu.memref_slice %arg4[%mul3A_2, %dma_wait3A_114] : memref<320000x128xf32, #tpu.memory_space<hbm>> -> memref<80x128xf32, #tpu.memory_space<hbm>>
    %dma_wait3A_116 = arith.constant 0 : i32
    %dma_wait3A_117 = tpu.memref_slice %arg4[%mul3A_2, %dma_wait3A_116] : memref<320000x128xf32, #tpu.memory_space<hbm>> -> memref<80x128xf32, #tpu.memory_space<hbm>>
    tpu.wait_dma2 semaphore(%arg24 : memref<!tpu.dma_semaphore, #tpu.memory_space<semaphore_mem>>) src(%arg8 : memref<80x128xf32, #tpu.memory_space<vmem>>) dst(%dma_wait3A_117 : memref<80x128xf32, #tpu.memory_space<hbm>>)
    %dma_wait3A_118 = arith.constant 0 : i32
    %dma_wait3A_119 = tpu.memref_slice %arg4[%mul3A_2, %dma_wait3A_118] : memref<320000x128xf32, #tpu.memory_space<hbm>> -> memref<80x128xf32, #tpu.memory_space<hbm>>
    %dma_wait3A_120 = arith.constant 0 : i32
    %dma_wait3A_121 = tpu.memref_slice %arg4[%mul3A_2, %dma_wait3A_120] : memref<320000x128xf32, #tpu.memory_space<hbm>> -> memref<80x128xf32, #tpu.memory_space<hbm>>
    tpu.wait_dma2 semaphore(%arg25 : memref<!tpu.dma_semaphore, #tpu.memory_space<semaphore_mem>>) src(%arg9 : memref<80x128xf32, #tpu.memory_space<vmem>>) dst(%dma_wait3A_121 : memref<80x128xf32, #tpu.memory_space<hbm>>)
    %dma_wait3A_122 = arith.constant 0 : i32
    %dma_wait3A_123 = tpu.memref_slice %arg4[%mul3A_2, %dma_wait3A_122] : memref<320000x128xf32, #tpu.memory_space<hbm>> -> memref<80x128xf32, #tpu.memory_space<hbm>>
    %dma_wait3A_124 = arith.constant 0 : i32
    %dma_wait3A_125 = tpu.memref_slice %arg4[%mul3A_2, %dma_wait3A_124] : memref<320000x128xf32, #tpu.memory_space<hbm>> -> memref<80x128xf32, #tpu.memory_space<hbm>>
    tpu.wait_dma2 semaphore(%arg26 : memref<!tpu.dma_semaphore, #tpu.memory_space<semaphore_mem>>) src(%arg10 : memref<80x128xf32, #tpu.memory_space<vmem>>) dst(%dma_wait3A_125 : memref<80x128xf32, #tpu.memory_space<hbm>>)
    return
  }
}

module attributes {stable_mosaic.version = 14 : i64} {
  func.func @_fused_body(%arg0: i32, %arg1: i32, %arg2: memref<400x128xf32, #tpu.memory_space<vmem>>, %arg3: memref<12800x128xf32, #tpu.memory_space<vmem>>, %arg4: memref<400x32x16xf32, #tpu.memory_space<vmem>>, %arg5: memref<128x256xf32, #tpu.memory_space<vmem>>, %arg6: memref<128x256xf32, #tpu.memory_space<vmem>>, %arg7: memref<16x256xf32, #tpu.memory_space<vmem>>, %arg8: memref<1x256xf32, #tpu.memory_space<vmem>>, %arg9: memref<1x256xf32, #tpu.memory_space<vmem>>, %arg10: memref<1x128xf32, #tpu.memory_space<vmem>>, %arg11: memref<1x128xf32, #tpu.memory_space<vmem>>, %arg12: memref<400x128xf32, #tpu.memory_space<vmem>>, %arg13: memref<2x256xf32, #tpu.memory_space<vmem>>, %arg14: memref<2x128xf32, #tpu.memory_space<vmem>>, %arg15: memref<10000x128xf32, #tpu.memory_space<vmem>>) attributes {dimension_semantics = [#tpu.dimension_semantics<arbitrary>, #tpu.dimension_semantics<arbitrary>], iteration_bounds = array<i64: 3, 25>, scalar_prefetch = 0 : i64, scratch_operands = 3 : i64, tpu.core_type = #tpu.core_type<tc>, window_params = [{transform_indices = @transform_0, window_bounds = array<i64: 400, 128>}, {transform_indices = @transform_1, window_bounds = array<i64: 12800, 128>}, {transform_indices = @transform_2, window_bounds = array<i64: 400, 32, 16>}, {pipeline_mode = #tpu.pipeline_mode<synchronous>, transform_indices = @transform_3, window_bounds = array<i64: 128, 256>}, {pipeline_mode = #tpu.pipeline_mode<synchronous>, transform_indices = @transform_4, window_bounds = array<i64: 128, 256>}, {pipeline_mode = #tpu.pipeline_mode<synchronous>, transform_indices = @transform_5, window_bounds = array<i64: 16, 256>}, {pipeline_mode = #tpu.pipeline_mode<synchronous>, transform_indices = @transform_6, window_bounds = array<i64: 1, 256>}, {pipeline_mode = #tpu.pipeline_mode<synchronous>, transform_indices = @transform_7, window_bounds = array<i64: 1, 256>}, {pipeline_mode = #tpu.pipeline_mode<synchronous>, transform_indices = @transform_8, window_bounds = array<i64: 1, 128>}, {pipeline_mode = #tpu.pipeline_mode<synchronous>, transform_indices = @transform_9, window_bounds = array<i64: 1, 128>}, {transform_indices = @transform_10, window_bounds = array<i64: 400, 128>}]} {
    %eq3A = arith.constant 0 : i32
    %eq3A_0 = arith.cmpi eq, %arg0, %eq3A : i32
    %convert_element_type3A = arith.extui %eq3A_0 : i1 to i32
    %cond3A = arith.constant 0 : i32
    %cond3A_1 = arith.cmpi ne, %convert_element_type3A, %cond3A : i32
    scf.if %cond3A_1 {
      %get3A = arith.constant 0 : index
      %get3A_12 = arith.constant 0 : index
      %get3A_13 = vector.load %arg2[%get3A, %get3A_12] : memref<400x128xf32, #tpu.memory_space<vmem>>, vector<400x128xf32>
      %get3A_14 = arith.constant 0 : index
      %get3A_15 = arith.constant 0 : index
      %get3A_16 = vector.load %arg5[%get3A_14, %get3A_15] : memref<128x256xf32, #tpu.memory_space<vmem>>, vector<128x256xf32>
      %dot_general3A = arith.constant dense<0.000000e+00> : vector<400x256xf32>
      %dot_general3A_17 = tpu.matmul %get3A_13, %get3A_16, %dot_general3A {dimension_numbers = #tpu.dot_dimension_numbers<[1], [0], [0], [1], [0, 0, 1, 1], [], []>, transpose_lhs_hint = false} : vector<400x128xf32>, vector<128x256xf32>, vector<400x256xf32> -> vector<400x256xf32>
      %get3A_18 = arith.constant 0 : index
      %get3A_19 = arith.constant 0 : index
      %get3A_20 = vector.load %arg3[%get3A_18, %get3A_19] : memref<12800x128xf32, #tpu.memory_space<vmem>>, vector<12800x128xf32>
      %get3A_21 = arith.constant 0 : index
      %get3A_22 = arith.constant 0 : index
      %get3A_23 = vector.load %arg6[%get3A_21, %get3A_22] : memref<128x256xf32, #tpu.memory_space<vmem>>, vector<128x256xf32>
      %dot_general3A_24 = arith.constant dense<0.000000e+00> : vector<12800x256xf32>
      %dot_general3A_25 = tpu.matmul %get3A_20, %get3A_23, %dot_general3A_24 {dimension_numbers = #tpu.dot_dimension_numbers<[1], [0], [0], [1], [0, 0, 1, 1], [], []>, transpose_lhs_hint = false} : vector<12800x128xf32>, vector<128x256xf32>, vector<12800x256xf32> -> vector<12800x256xf32>
      %get3A_26 = arith.constant 0 : index
      %get3A_27 = arith.constant 0 : index
      %get3A_28 = arith.constant 0 : index
      %get3A_29 = vector.load %arg4[%get3A_26, %get3A_27, %get3A_28] : memref<400x32x16xf32, #tpu.memory_space<vmem>>, vector<400x32x16xf32>
      %reshape3A = vector.shape_cast %get3A_29 : vector<400x32x16xf32> to vector<12800x16xf32>
      %get3A_30 = arith.constant 0 : index
      %get3A_31 = arith.constant 0 : index
      %get3A_32 = vector.load %arg7[%get3A_30, %get3A_31] : memref<16x256xf32, #tpu.memory_space<vmem>>, vector<16x256xf32>
      %dot_general3A_33 = arith.constant dense<0.000000e+00> : vector<12800x256xf32>
      %dot_general3A_34 = tpu.matmul %reshape3A, %get3A_32, %dot_general3A_33 {dimension_numbers = #tpu.dot_dimension_numbers<[1], [0], [0], [1], [0, 0, 1, 1], [], []>, transpose_lhs_hint = false} : vector<12800x16xf32>, vector<16x256xf32>, vector<12800x256xf32> -> vector<12800x256xf32>
      %add3A = arith.addf %dot_general3A_25, %dot_general3A_34 : vector<12800x256xf32>
      %reshape3A_35 = vector.shape_cast %add3A : vector<12800x256xf32> to vector<400x32x256xf32>
      %broadcast_in_dim3A = vector.shape_cast %dot_general3A_17 : vector<400x256xf32> to vector<400x1x256xf32>
      %add3A_36 = vector.broadcast %broadcast_in_dim3A : vector<400x1x256xf32> to vector<400x32x256xf32>
      %add3A_37 = arith.addf %reshape3A_35, %add3A_36 : vector<400x32x256xf32>
      %reduce_sum3A = arith.constant dense<0.000000e+00> : vector<256xf32>
      %reduce_sum3A_38 = vector.multi_reduction <add>, %add3A_37, %reduce_sum3A [0, 1] : vector<400x32x256xf32> to vector<256xf32>
      %broadcast_in_dim3A_39 = vector.shape_cast %reduce_sum3A_38 : vector<256xf32> to vector<1x256xf32>
      %mul3A = arith.mulf %add3A_37, %add3A_37 : vector<400x32x256xf32>
      %reduce_sum3A_40 = arith.constant dense<0.000000e+00> : vector<256xf32>
      %reduce_sum3A_41 = vector.multi_reduction <add>, %mul3A, %reduce_sum3A_40 [0, 1] : vector<400x32x256xf32> to vector<256xf32>
      %broadcast_in_dim3A_42 = vector.shape_cast %reduce_sum3A_41 : vector<256xf32> to vector<1x256xf32>
      %concatenate3A = tpu.concatenate %broadcast_in_dim3A_39, %broadcast_in_dim3A_42 in 0 : vector<1x256xf32>, vector<1x256xf32> -> vector<2x256xf32>
      %eq3A_43 = arith.constant 0 : i32
      %eq3A_44 = arith.cmpi eq, %arg1, %eq3A_43 : i32
      %convert_element_type3A_45 = arith.extui %eq3A_44 : i1 to i32
      %cond3A_46 = arith.constant 0 : i32
      %cond3A_47 = arith.cmpi ne, %convert_element_type3A_45, %cond3A_46 : i32
      scf.if %cond3A_47 {
        %broadcast_in_dim3A_54 = arith.constant 0.000000e+00 : f32
        %broadcast_in_dim3A_55 = vector.broadcast %broadcast_in_dim3A_54 : f32 to vector<2x256xf32>
        %swap3A_56 = arith.constant 0 : index
        %swap3A_57 = arith.constant 0 : index
        %swap3A_58 = vector.load %arg13[%swap3A_56, %swap3A_57] : memref<2x256xf32, #tpu.memory_space<vmem>>, vector<2x256xf32>
        tpu.vector_store %arg13[%swap3A_56, %swap3A_57], %broadcast_in_dim3A_55 {strides = array<i32>} : memref<2x256xf32, #tpu.memory_space<vmem>>, vector<2x256xf32>,
      } else {
      }
      %get3A_48 = arith.constant 0 : index
      %get3A_49 = arith.constant 0 : index
      %get3A_50 = vector.load %arg13[%get3A_48, %get3A_49] : memref<2x256xf32, #tpu.memory_space<vmem>>, vector<2x256xf32>
      %add3A_51 = arith.addf %get3A_50, %concatenate3A : vector<2x256xf32>
      %swap3A = arith.constant 0 : index
      %swap3A_52 = arith.constant 0 : index
      %swap3A_53 = vector.load %arg13[%swap3A, %swap3A_52] : memref<2x256xf32, #tpu.memory_space<vmem>>, vector<2x256xf32>
      tpu.vector_store %arg13[%swap3A, %swap3A_52], %add3A_51 {strides = array<i32>} : memref<2x256xf32, #tpu.memory_space<vmem>>, vector<2x256xf32>,
    } else {
    }
    %eq3A_2 = arith.constant 1 : i32
    %eq3A_3 = arith.cmpi eq, %arg0, %eq3A_2 : i32
    %convert_element_type3A_4 = arith.extui %eq3A_3 : i1 to i32
    %cond3A_5 = arith.constant 0 : i32
    %cond3A_6 = arith.cmpi ne, %convert_element_type3A_4, %cond3A_5 : i32
    scf.if %cond3A_6 {
      %get3A = arith.constant 0 : index
      %get3A_12 = arith.constant 0 : index
      %get3A_13 = vector.load %arg13[%get3A, %get3A_12] : memref<2x256xf32, #tpu.memory_space<vmem>>, vector<2x256xf32>
      %slice3A = vector.extract_strided_slice %get3A_13 {offsets = [0, 0], sizes = [1, 256], strides = [1, 1]} : vector<2x256xf32> to vector<1x256xf32>
      %mul3A = arith.constant 3.125000e-06 : f32
      %mul3A_14 = vector.broadcast %mul3A : f32 to vector<1x256xf32>
      %mul3A_15 = arith.mulf %slice3A, %mul3A_14 : vector<1x256xf32>
      %slice3A_16 = vector.extract_strided_slice %get3A_13 {offsets = [1, 0], sizes = [1, 256], strides = [1, 1]} : vector<2x256xf32> to vector<1x256xf32>
      %mul3A_17 = arith.constant 3.125000e-06 : f32
      %mul3A_18 = vector.broadcast %mul3A_17 : f32 to vector<1x256xf32>
      %mul3A_19 = arith.mulf %slice3A_16, %mul3A_18 : vector<1x256xf32>
      %mul3A_20 = arith.mulf %mul3A_15, %mul3A_15 : vector<1x256xf32>
      %sub3A = arith.subf %mul3A_19, %mul3A_20 : vector<1x256xf32>
      %get3A_21 = arith.constant 0 : index
      %get3A_22 = arith.constant 0 : index
      %get3A_23 = vector.load %arg8[%get3A_21, %get3A_22] : memref<1x256xf32, #tpu.memory_space<vmem>>, vector<1x256xf32>
      %add3A = arith.constant 9.99999974E-6 : f32
      %add3A_24 = vector.broadcast %add3A : f32 to vector<1x256xf32>
      %add3A_25 = arith.addf %sub3A, %add3A_24 : vector<1x256xf32>
      %rsqrt3A = math.rsqrt %add3A_25 : vector<1x256xf32>
      %mul3A_26 = arith.mulf %get3A_23, %rsqrt3A : vector<1x256xf32>
      %get3A_27 = arith.constant 0 : index
      %get3A_28 = arith.constant 0 : index
      %get3A_29 = vector.load %arg9[%get3A_27, %get3A_28] : memref<1x256xf32, #tpu.memory_space<vmem>>, vector<1x256xf32>
      %mul3A_30 = arith.mulf %mul3A_15, %mul3A_26 : vector<1x256xf32>
      %sub3A_31 = arith.subf %get3A_29, %mul3A_30 : vector<1x256xf32>
      %get3A_32 = arith.constant 0 : index
      %get3A_33 = arith.constant 0 : index
      %get3A_34 = vector.load %arg2[%get3A_32, %get3A_33] : memref<400x128xf32, #tpu.memory_space<vmem>>, vector<400x128xf32>
      %get3A_35 = arith.constant 0 : index
      %get3A_36 = arith.constant 0 : index
      %get3A_37 = vector.load %arg5[%get3A_35, %get3A_36] : memref<128x256xf32, #tpu.memory_space<vmem>>, vector<128x256xf32>
      %dot_general3A = arith.constant dense<0.000000e+00> : vector<400x256xf32>
      %dot_general3A_38 = tpu.matmul %get3A_34, %get3A_37, %dot_general3A {dimension_numbers = #tpu.dot_dimension_numbers<[1], [0], [0], [1], [0, 0, 1, 1], [], []>, transpose_lhs_hint = false} : vector<400x128xf32>, vector<128x256xf32>, vector<400x256xf32> -> vector<400x256xf32>
      %get3A_39 = arith.constant 0 : index
      %get3A_40 = arith.constant 0 : index
      %get3A_41 = vector.load %arg3[%get3A_39, %get3A_40] : memref<12800x128xf32, #tpu.memory_space<vmem>>, vector<12800x128xf32>
      %get3A_42 = arith.constant 0 : index
      %get3A_43 = arith.constant 0 : index
      %get3A_44 = vector.load %arg6[%get3A_42, %get3A_43] : memref<128x256xf32, #tpu.memory_space<vmem>>, vector<128x256xf32>
      %dot_general3A_45 = arith.constant dense<0.000000e+00> : vector<12800x256xf32>
      %dot_general3A_46 = tpu.matmul %get3A_41, %get3A_44, %dot_general3A_45 {dimension_numbers = #tpu.dot_dimension_numbers<[1], [0], [0], [1], [0, 0, 1, 1], [], []>, transpose_lhs_hint = false} : vector<12800x128xf32>, vector<128x256xf32>, vector<12800x256xf32> -> vector<12800x256xf32>
      %get3A_47 = arith.constant 0 : index
      %get3A_48 = arith.constant 0 : index
      %get3A_49 = arith.constant 0 : index
      %get3A_50 = vector.load %arg4[%get3A_47, %get3A_48, %get3A_49] : memref<400x32x16xf32, #tpu.memory_space<vmem>>, vector<400x32x16xf32>
      %reshape3A = vector.shape_cast %get3A_50 : vector<400x32x16xf32> to vector<12800x16xf32>
      %get3A_51 = arith.constant 0 : index
      %get3A_52 = arith.constant 0 : index
      %get3A_53 = vector.load %arg7[%get3A_51, %get3A_52] : memref<16x256xf32, #tpu.memory_space<vmem>>, vector<16x256xf32>
      %dot_general3A_54 = arith.constant dense<0.000000e+00> : vector<12800x256xf32>
      %dot_general3A_55 = tpu.matmul %reshape3A, %get3A_53, %dot_general3A_54 {dimension_numbers = #tpu.dot_dimension_numbers<[1], [0], [0], [1], [0, 0, 1, 1], [], []>, transpose_lhs_hint = false} : vector<12800x16xf32>, vector<16x256xf32>, vector<12800x256xf32> -> vector<12800x256xf32>
      %add3A_56 = arith.addf %dot_general3A_46, %dot_general3A_55 : vector<12800x256xf32>
      %reshape3A_57 = vector.shape_cast %add3A_56 : vector<12800x256xf32> to vector<400x32x256xf32>
      %broadcast_in_dim3A = vector.shape_cast %dot_general3A_38 : vector<400x256xf32> to vector<400x1x256xf32>
      %add3A_58 = vector.broadcast %broadcast_in_dim3A : vector<400x1x256xf32> to vector<400x32x256xf32>
      %add3A_59 = arith.addf %reshape3A_57, %add3A_58 : vector<400x32x256xf32>
      %broadcast_in_dim3A_60 = vector.shape_cast %mul3A_26 : vector<1x256xf32> to vector<1x1x256xf32>
      %mul3A_61 = vector.broadcast %broadcast_in_dim3A_60 : vector<1x1x256xf32> to vector<400x32x256xf32>
      %mul3A_62 = arith.mulf %add3A_59, %mul3A_61 : vector<400x32x256xf32>
      %broadcast_in_dim3A_63 = vector.shape_cast %sub3A_31 : vector<1x256xf32> to vector<1x1x256xf32>
      %add3A_64 = vector.broadcast %broadcast_in_dim3A_63 : vector<1x1x256xf32> to vector<400x32x256xf32>
      %add3A_65 = arith.addf %mul3A_62, %add3A_64 : vector<400x32x256xf32>
      %slice3A_66 = vector.extract_strided_slice %add3A_65 {offsets = [0, 0, 0], sizes = [400, 32, 128], strides = [1, 1, 1]} : vector<400x32x256xf32> to vector<400x32x128xf32>
      %neg3A = arith.constant 0.000000e+00 : f32
      %neg3A_67 = vector.broadcast %neg3A : f32 to vector<400x32x128xf32>
      %neg3A_68 = arith.subf %neg3A_67, %slice3A_66 : vector<400x32x128xf32>
      %exp3A = math.exp %neg3A_68 : vector<400x32x128xf32>
      %add3A_69 = arith.constant 1.000000e+00 : f32
      %add3A_70 = vector.broadcast %add3A_69 : f32 to vector<400x32x128xf32>
      %add3A_71 = arith.addf %add3A_70, %exp3A : vector<400x32x128xf32>
      %div3A = arith.constant 1.000000e+00 : f32
      %div3A_72 = vector.broadcast %div3A : f32 to vector<400x32x128xf32>
      %div3A_73 = arith.divf %div3A_72, %add3A_71 : vector<400x32x128xf32>
      %slice3A_74 = vector.extract_strided_slice %add3A_65 {offsets = [0, 0, 128], sizes = [400, 32, 128], strides = [1, 1, 1]} : vector<400x32x256xf32> to vector<400x32x128xf32>
      %max3A = arith.constant 0.000000e+00 : f32
      %max3A_75 = vector.broadcast %max3A : f32 to vector<400x32x128xf32>
      %max3A_76 = arith.maximumf %slice3A_74, %max3A_75 : vector<400x32x128xf32>
      %abs3A = math.absf %slice3A_74 : vector<400x32x128xf32>
      %neg3A_77 = arith.constant 0.000000e+00 : f32
      %neg3A_78 = vector.broadcast %neg3A_77 : f32 to vector<400x32x128xf32>
      %neg3A_79 = arith.subf %neg3A_78, %abs3A : vector<400x32x128xf32>
      %exp3A_80 = math.exp %neg3A_79 : vector<400x32x128xf32>
      %add3A_81 = arith.constant 1.000000e+00 : f32
      %add3A_82 = vector.broadcast %add3A_81 : f32 to vector<400x32x128xf32>
      %add3A_83 = arith.addf %add3A_82, %exp3A_80 : vector<400x32x128xf32>
      %log3A = math.log %add3A_83 : vector<400x32x128xf32>
      %add3A_84 = arith.addf %max3A_76, %log3A : vector<400x32x128xf32>
      %mul3A_85 = arith.mulf %div3A_73, %add3A_84 : vector<400x32x128xf32>
      %reduce_sum3A = arith.constant dense<0.000000e+00> : vector<400x128xf32>
      %reduce_sum3A_86 = vector.multi_reduction <add>, %mul3A_85, %reduce_sum3A [1] : vector<400x32x128xf32> to vector<400x128xf32>
      %mul3A_87 = arith.constant 400 : i32
      %mul3A_88 = arith.muli %arg1, %mul3A_87 : i32
      %swap3A = arith.index_cast %mul3A_88 : i32 to index
      %swap3A_89 = arith.constant 0 : index
      %swap3A_90 = vector.load %arg15[%swap3A, %swap3A_89] : memref<10000x128xf32, #tpu.memory_space<vmem>>, vector<400x128xf32>
      tpu.vector_store %arg15[%swap3A, %swap3A_89], %reduce_sum3A_86 {strides = array<i32>} : memref<10000x128xf32, #tpu.memory_space<vmem>>, vector<400x128xf32>,
      %reduce_sum3A_91 = arith.constant dense<0.000000e+00> : vector<128xf32>
      %reduce_sum3A_92 = vector.multi_reduction <add>, %reduce_sum3A_86, %reduce_sum3A_91 [0] : vector<400x128xf32> to vector<128xf32>
      %broadcast_in_dim3A_93 = vector.shape_cast %reduce_sum3A_92 : vector<128xf32> to vector<1x128xf32>
      %mul3A_94 = arith.mulf %reduce_sum3A_86, %reduce_sum3A_86 : vector<400x128xf32>
      %reduce_sum3A_95 = arith.constant dense<0.000000e+00> : vector<128xf32>
      %reduce_sum3A_96 = vector.multi_reduction <add>, %mul3A_94, %reduce_sum3A_95 [0] : vector<400x128xf32> to vector<128xf32>
      %broadcast_in_dim3A_97 = vector.shape_cast %reduce_sum3A_96 : vector<128xf32> to vector<1x128xf32>
      %concatenate3A = tpu.concatenate %broadcast_in_dim3A_93, %broadcast_in_dim3A_97 in 0 : vector<1x128xf32>, vector<1x128xf32> -> vector<2x128xf32>
      %eq3A_98 = arith.constant 0 : i32
      %eq3A_99 = arith.cmpi eq, %arg1, %eq3A_98 : i32
      %convert_element_type3A_100 = arith.extui %eq3A_99 : i1 to i32
      %cond3A_101 = arith.constant 0 : i32
      %cond3A_102 = arith.cmpi ne, %convert_element_type3A_100, %cond3A_101 : i32
      scf.if %cond3A_102 {
        %broadcast_in_dim3A_110 = arith.constant 0.000000e+00 : f32
        %broadcast_in_dim3A_111 = vector.broadcast %broadcast_in_dim3A_110 : f32 to vector<2x128xf32>
        %swap3A_112 = arith.constant 0 : index
        %swap3A_113 = arith.constant 0 : index
        %swap3A_114 = vector.load %arg14[%swap3A_112, %swap3A_113] : memref<2x128xf32, #tpu.memory_space<vmem>>, vector<2x128xf32>
        tpu.vector_store %arg14[%swap3A_112, %swap3A_113], %broadcast_in_dim3A_111 {strides = array<i32>} : memref<2x128xf32, #tpu.memory_space<vmem>>, vector<2x128xf32>,
      } else {
      }
      %get3A_103 = arith.constant 0 : index
      %get3A_104 = arith.constant 0 : index
      %get3A_105 = vector.load %arg14[%get3A_103, %get3A_104] : memref<2x128xf32, #tpu.memory_space<vmem>>, vector<2x128xf32>
      %add3A_106 = arith.addf %get3A_105, %concatenate3A : vector<2x128xf32>
      %swap3A_107 = arith.constant 0 : index
      %swap3A_108 = arith.constant 0 : index
      %swap3A_109 = vector.load %arg14[%swap3A_107, %swap3A_108] : memref<2x128xf32, #tpu.memory_space<vmem>>, vector<2x128xf32>
      tpu.vector_store %arg14[%swap3A_107, %swap3A_108], %add3A_106 {strides = array<i32>} : memref<2x128xf32, #tpu.memory_space<vmem>>, vector<2x128xf32>,
    } else {
    }
    %eq3A_7 = arith.constant 2 : i32
    %eq3A_8 = arith.cmpi eq, %arg0, %eq3A_7 : i32
    %convert_element_type3A_9 = arith.extui %eq3A_8 : i1 to i32
    %cond3A_10 = arith.constant 0 : i32
    %cond3A_11 = arith.cmpi ne, %convert_element_type3A_9, %cond3A_10 : i32
    scf.if %cond3A_11 {
      %get3A = arith.constant 0 : index
      %get3A_12 = arith.constant 0 : index
      %get3A_13 = vector.load %arg14[%get3A, %get3A_12] : memref<2x128xf32, #tpu.memory_space<vmem>>, vector<2x128xf32>
      %slice3A = vector.extract_strided_slice %get3A_13 {offsets = [0, 0], sizes = [1, 128], strides = [1, 1]} : vector<2x128xf32> to vector<1x128xf32>
      %mul3A = arith.constant 9.99999974E-5 : f32
      %mul3A_14 = vector.broadcast %mul3A : f32 to vector<1x128xf32>
      %mul3A_15 = arith.mulf %slice3A, %mul3A_14 : vector<1x128xf32>
      %slice3A_16 = vector.extract_strided_slice %get3A_13 {offsets = [1, 0], sizes = [1, 128], strides = [1, 1]} : vector<2x128xf32> to vector<1x128xf32>
      %mul3A_17 = arith.constant 9.99999974E-5 : f32
      %mul3A_18 = vector.broadcast %mul3A_17 : f32 to vector<1x128xf32>
      %mul3A_19 = arith.mulf %slice3A_16, %mul3A_18 : vector<1x128xf32>
      %mul3A_20 = arith.mulf %mul3A_15, %mul3A_15 : vector<1x128xf32>
      %sub3A = arith.subf %mul3A_19, %mul3A_20 : vector<1x128xf32>
      %get3A_21 = arith.constant 0 : index
      %get3A_22 = arith.constant 0 : index
      %get3A_23 = vector.load %arg10[%get3A_21, %get3A_22] : memref<1x128xf32, #tpu.memory_space<vmem>>, vector<1x128xf32>
      %add3A = arith.constant 9.99999974E-6 : f32
      %add3A_24 = vector.broadcast %add3A : f32 to vector<1x128xf32>
      %add3A_25 = arith.addf %sub3A, %add3A_24 : vector<1x128xf32>
      %rsqrt3A = math.rsqrt %add3A_25 : vector<1x128xf32>
      %mul3A_26 = arith.mulf %get3A_23, %rsqrt3A : vector<1x128xf32>
      %get3A_27 = arith.constant 0 : index
      %get3A_28 = arith.constant 0 : index
      %get3A_29 = vector.load %arg11[%get3A_27, %get3A_28] : memref<1x128xf32, #tpu.memory_space<vmem>>, vector<1x128xf32>
      %mul3A_30 = arith.mulf %mul3A_15, %mul3A_26 : vector<1x128xf32>
      %sub3A_31 = arith.subf %get3A_29, %mul3A_30 : vector<1x128xf32>
      %get3A_32 = arith.constant 0 : index
      %get3A_33 = arith.constant 0 : index
      %get3A_34 = vector.load %arg2[%get3A_32, %get3A_33] : memref<400x128xf32, #tpu.memory_space<vmem>>, vector<400x128xf32>
      %mul3A_35 = arith.constant 400 : i32
      %mul3A_36 = arith.muli %arg1, %mul3A_35 : i32
      %get3A_37 = arith.index_cast %mul3A_36 : i32 to index
      %get3A_38 = arith.constant 0 : index
      %get3A_39 = vector.load %arg15[%get3A_37, %get3A_38] : memref<10000x128xf32, #tpu.memory_space<vmem>>, vector<400x128xf32>
      %mul3A_40 = vector.broadcast %mul3A_26 : vector<1x128xf32> to vector<400x128xf32>
      %mul3A_41 = arith.mulf %get3A_39, %mul3A_40 : vector<400x128xf32>
      %add3A_42 = arith.addf %get3A_34, %mul3A_41 : vector<400x128xf32>
      %add3A_43 = vector.broadcast %sub3A_31 : vector<1x128xf32> to vector<400x128xf32>
      %add3A_44 = arith.addf %add3A_42, %add3A_43 : vector<400x128xf32>
      %max3A = arith.constant 0.000000e+00 : f32
      %max3A_45 = vector.broadcast %max3A : f32 to vector<400x128xf32>
      %max3A_46 = arith.maximumf %add3A_44, %max3A_45 : vector<400x128xf32>
      %abs3A = math.absf %add3A_44 : vector<400x128xf32>
      %neg3A = arith.constant 0.000000e+00 : f32
      %neg3A_47 = vector.broadcast %neg3A : f32 to vector<400x128xf32>
      %neg3A_48 = arith.subf %neg3A_47, %abs3A : vector<400x128xf32>
      %exp3A = math.exp %neg3A_48 : vector<400x128xf32>
      %add3A_49 = arith.constant 1.000000e+00 : f32
      %add3A_50 = vector.broadcast %add3A_49 : f32 to vector<400x128xf32>
      %add3A_51 = arith.addf %add3A_50, %exp3A : vector<400x128xf32>
      %log3A = math.log %add3A_51 : vector<400x128xf32>
      %add3A_52 = arith.addf %max3A_46, %log3A : vector<400x128xf32>
      %swap3A = arith.constant 0 : index
      %swap3A_53 = arith.constant 0 : index
      %swap3A_54 = vector.load %arg12[%swap3A, %swap3A_53] : memref<400x128xf32, #tpu.memory_space<vmem>>, vector<400x128xf32>
      tpu.vector_store %arg12[%swap3A, %swap3A_53], %add3A_52 {strides = array<i32>} : memref<400x128xf32, #tpu.memory_space<vmem>>, vector<400x128xf32>,
    } else {
    }
    return
  }
  func.func @transform_0(%arg0: i32, %arg1: i32) -> (i32, i32) {
    %c0_i32 = arith.constant 0 : i32
    %c0_i32_0 = arith.constant 0 : i32
    return %arg1, %c0_i32 : i32, i32
  }
  func.func @transform_1(%arg0: i32, %arg1: i32) -> (i32, i32) {
    %eq3A = arith.constant 2 : i32
    %eq3A_0 = arith.cmpi eq, %arg0, %eq3A : i32
    %jit3A = arith.constant 0 : i32
    %select_n3A = arith.select %eq3A_0, %jit3A, %arg1 : i32
    %c0_i32 = arith.constant 0 : i32
    %c0_i32_1 = arith.constant 0 : i32
    return %select_n3A, %c0_i32 : i32, i32
  }
  func.func @transform_2(%arg0: i32, %arg1: i32) -> (i32, i32, i32) {
    %eq3A = arith.constant 2 : i32
    %eq3A_0 = arith.cmpi eq, %arg0, %eq3A : i32
    %jit3A = arith.constant 0 : i32
    %select_n3A = arith.select %eq3A_0, %jit3A, %arg1 : i32
    %c0_i32 = arith.constant 0 : i32
    %c0_i32_1 = arith.constant 0 : i32
    %c0_i32_2 = arith.constant 0 : i32
    return %select_n3A, %c0_i32, %c0_i32_1 : i32, i32, i32
  }
  func.func @transform_3(%arg0: i32, %arg1: i32) -> (i32, i32) {
    %c0_i32 = arith.constant 0 : i32
    %c0_i32_0 = arith.constant 0 : i32
    %c0_i32_1 = arith.constant 0 : i32
    return %c0_i32, %c0_i32_0 : i32, i32
  }
  func.func @transform_4(%arg0: i32, %arg1: i32) -> (i32, i32) {
    %c0_i32 = arith.constant 0 : i32
    %c0_i32_0 = arith.constant 0 : i32
    %c0_i32_1 = arith.constant 0 : i32
    return %c0_i32, %c0_i32_0 : i32, i32
  }
  func.func @transform_5(%arg0: i32, %arg1: i32) -> (i32, i32) {
    %c0_i32 = arith.constant 0 : i32
    %c0_i32_0 = arith.constant 0 : i32
    %c0_i32_1 = arith.constant 0 : i32
    return %c0_i32, %c0_i32_0 : i32, i32
  }
  func.func @transform_6(%arg0: i32, %arg1: i32) -> (i32, i32) {
    %c0_i32 = arith.constant 0 : i32
    %c0_i32_0 = arith.constant 0 : i32
    %c0_i32_1 = arith.constant 0 : i32
    return %c0_i32, %c0_i32_0 : i32, i32
  }
  func.func @transform_7(%arg0: i32, %arg1: i32) -> (i32, i32) {
    %c0_i32 = arith.constant 0 : i32
    %c0_i32_0 = arith.constant 0 : i32
    %c0_i32_1 = arith.constant 0 : i32
    return %c0_i32, %c0_i32_0 : i32, i32
  }
  func.func @transform_8(%arg0: i32, %arg1: i32) -> (i32, i32) {
    %c0_i32 = arith.constant 0 : i32
    %c0_i32_0 = arith.constant 0 : i32
    %c0_i32_1 = arith.constant 0 : i32
    return %c0_i32, %c0_i32_0 : i32, i32
  }
  func.func @transform_9(%arg0: i32, %arg1: i32) -> (i32, i32) {
    %c0_i32 = arith.constant 0 : i32
    %c0_i32_0 = arith.constant 0 : i32
    %c0_i32_1 = arith.constant 0 : i32
    return %c0_i32, %c0_i32_0 : i32, i32
  }
  func.func @transform_10(%arg0: i32, %arg1: i32) -> (i32, i32) {
    %c0_i32 = arith.constant 0 : i32
    %c0_i32_0 = arith.constant 0 : i32
    return %arg1, %c0_i32 : i32, i32
  }
}

</mosaic_0001>

<sc_bundles>
// kernel: kernel.4.cloned.1.call-start
scs
__scs_entry_jumppad:
0x0: {  	(pc) =	sbr.rel $0x88, $3  }
0x1: {  	(tag) =	ssettag $0x0;
	lr =	simm.s32 $0x1  }
0x2: {  	[smem:$0x3F99] =	sst lr;
	_ =	strace $0xD0000000  }
0x3: {  	_ = 	snop  }
0x4: {  	_ = 	snop  }
0x5: {  	_ = 	snop  }
0x6: {  	_ = 	snop  }
0x7: {  	_ = 	snop  }
__scs_overlays_trampoline_lowered:
0x8: {  	[smem:$0x3FA8] =	sst s0  }
0x9: {  	[smem:$0x3FA9] =	sst s1  }
0xa: {  	[smem:$0x3FAA] =	sst s2  }
0xb: {  	[smem:$0x3FAB] =	sst s3  }
0xc: {  	[smem:$0x3FAC] =	sst s4  }
0xd: {  	[smem:$0x3FAD] =	sst s5  }
0xe: {  	[smem:$0x3FAE] =	sst s6  }
0xf: {  	[smem:$0x3FAF] =	sst s7  }
0x10: {  	[smem:$0x3FB0] =	sst s8  }
0x11: {  	[smem:$0x3FB1] =	sst s9;
	s0 =	simm.s32 @!p0 $0x0  }
0x12: {  	s1 =	sld [smem:$0x3F97];
	s0 =	simm.s32 @p0 $0x1  }
0x13: {  	[smem:$0x3FB2] =	sst s0;
	s0 =	simm.s32 @!p1 $0x0  }
0x14: {  	s2 =	sld [smem:$0x3F96];
	s0 =	simm.s32 @p1 $0x1  }
0x15: {  	[smem:$0x3FB3] =	sst s0;
	s0 =	simm.s32 @!p2 $0x0  }
0x16: {  	s3 =	sld [smem:$0x3FDB];
	s0 =	simm.s32 @p2 $0x1  }
0x17: {  	s4 =	simm.s32 $0x1BF5;
	[smem:$0x3FB5] =	sst s0  }
0x18: {  	s0 =	sld [smem:$0x3F98];
	_ =	swait.ge [sflag:s4], $0x0  }
0x19: {  	s7 =	sld [smem:$0x3F99]  }
0x1a: {  	s8 =	sadd.s32 $0xFFFFE003, lr  }
0x1b: {  	s9 =	sadd.s32 $0xFFFFFEF7, lr;
	s5 =	simm.s32 $0xFFFFFFFF;
	p2 =	slt.u32 s8, $0xFFFFF086  }
0x1c: {  	p1 =	slt.u32 s9, $0xF7A;
	s5 =	simm.s32 @!p2 $0x0  }
0x1d: {  	s5 =	simm.s32 @p1 $0x1;
	p0 =	seq.s32 s7, s2  }
0x1e: {  	s7 =	smul.u32 @!p0 $0xF7A, s2;
	p2 =	seq.s32 @!p0 s5, $0x0  }
0x1f: {  	s9 =	smul.u32 $0xF7A, s1;
	s8 =	simm.s32 @!p0 $0x1BF5;
	p2 =	por !p2, p0  }
0x20: {  	[sflag:s8] =	ssyncset.s32 @!p0 $0xFFFFF086;
	s6 =	sadd.s32 @!p0 s3, s7;
	s7 =	simm.s32 @!p0 $0x108  }
0x21: {  	s3 =	sadd.s32 s3, s9;
	s6 =	sadd.s32 @!p0 $0x88, s6;
	s7 =	simm.s32 @p2 $0x1082  }
0x22: {  	[simem:s7], [sflag:s8] =	dma.local @!p0 [hbm:s6], $0xF7A  }
0x23: {  	s9 =	sor.u32 $0xD0000000, s2;
	s6 =	simm.s32 $0x108;
	_ =	swait.ge @!p0 [sflag:s8], $0x0  }
0x24: {  	s3 =	sadd.s32 $0x88, s3;
	s6 =	simm.s32 @!p1 $0x1082;
	[sflag:s4] =	ssyncset.s32 $0xFFFFF086  }
0x25: {  	[simem:s6], [sflag:s4] =	dma.local [hbm:s3], $0xF7A  }
0x26: {  	[smem:$0x3F99] =	sst s1;
	(tag) =	ssettag s2;
	_ =	strace s9  }
0x27: {  	s1 =	sld [smem:$0x3FA9]  }
0x28: {  	s2 =	sld [smem:$0x3FAA]  }
0x29: {  	s4 =	sld [smem:$0x3FAC]  }
0x2a: {  	p0 =	seq.s32 s5, $0x0;
	s5 =	sld [smem:$0x3FAD]  }
0x2b: {  	s6 =	sld [smem:$0x3FAE]  }
0x2c: {  	s7 =	sld [smem:$0x3FAF]  }
0x2d: {  	s3 =	simm.s32 $0x108;
	s8 =	sld [smem:$0x3FB0]  }
0x2e: {  	s3 =	simm.s32 @!p0 $0x1082;
	s9 =	sld [smem:$0x3FB1]  }
0x2f: {  	lr =	sadd.s32 s0, s3;
	s0 =	sld [smem:$0x3FA8]  }
0x30: {  	s3 =	sld [smem:$0x3FAB]  }
0x31: {  	[smem:$0x3FB4] =	sst s10  }
0x32: {  	s10 =	sld [smem:$0x3FB2];
	_ =	sdelay $0x3  }
0x33: {  	p0 =	seq.s32 s10, $0x1;
	s10 =	sld [smem:$0x3FB4];
	_ =	sdelay $0x3  }
0x34: {  	[smem:$0x3FB4] =	sst s10  }
0x35: {  	s10 =	sld [smem:$0x3FB3];
	_ =	sdelay $0x3  }
0x36: {  	p1 =	seq.s32 s10, $0x1;
	s10 =	sld [smem:$0x3FB4];
	_ =	sdelay $0x3  }
0x37: {  	[smem:$0x3FB4] =	sst s10  }
0x38: {  	s10 =	sld [smem:$0x3FB5]  }
0x39: {  	_ = 	snop;
	(pc) =	sbr.ind lr, $3  }
0x3a: {  	_ = 	snop  }
0x3b: {  	_ = 	snop  }
0x3c: {  	p2 =	seq.s32 s10, $0x1;
	s10 =	sld [smem:$0x3FB4]  }
0x3d: {  	_ =	shalt  }
0x3e: {  	_ =	shalt  }
0x3f: {  	_ =	shalt  }
0x40: {  	_ =	shalt  }
0x41: {  	_ =	shalt  }
0x42: {  	_ =	shalt  }
0x43: {  	_ =	shalt  }
0x44: {  	_ =	shalt  }
0x45: {  	_ =	shalt  }
0x46: {  	_ =	shalt  }
0x47: {  	_ =	shalt  }
0x48: {  	_ =	shalt  }
0x49: {  	_ =	shalt  }
0x4a: {  	_ =	shalt  }
0x4b: {  	_ =	shalt  }
0x4c: {  	_ =	shalt  }
0x4d: {  	_ =	shalt  }
0x4e: {  	_ =	shalt  }
0x4f: {  	_ =	shalt  }
0x50: {  	_ =	shalt  }
0x51: {  	_ =	shalt  }
0x52: {  	_ =	shalt  }
0x53: {  	_ =	shalt  }
0x54: {  	_ =	shalt  }
0x55: {  	_ =	shalt  }
0x56: {  	_ =	shalt  }
0x57: {  	_ =	shalt  }
0x58: {  	_ =	shalt  }
0x59: {  	_ =	shalt  }
0x5a: {  	_ =	shalt  }
0x5b: {  	_ =	shalt  }
0x5c: {  	_ =	shalt  }
0x5d: {  	_ =	shalt  }
0x5e: {  	_ =	shalt  }
0x5f: {  	_ =	shalt  }
0x60: {  	_ =	shalt  }
0x61: {  	_ =	shalt  }
0x62: {  	_ =	shalt  }
0x63: {  	_ =	shalt  }
0x64: {  	_ =	shalt  }
0x65: {  	_ =	shalt  }
0x66: {  	_ =	shalt  }
0x67: {  	_ =	shalt  }
0x68: {  	_ =	shalt  }
0x69: {  	_ =	shalt  }
0x6a: {  	_ =	shalt  }
0x6b: {  	_ =	shalt  }
0x6c: {  	_ =	shalt  }
0x6d: {  	_ =	shalt  }
0x6e: {  	_ =	shalt  }
0x6f: {  	_ =	shalt  }
0x70: {  	_ =	shalt  }
0x71: {  	_ =	shalt  }
0x72: {  	_ =	shalt  }
0x73: {  	_ =	shalt  }
0x74: {  	_ =	shalt  }
0x75: {  	_ =	shalt  }
0x76: {  	_ =	shalt  }
0x77: {  	_ =	shalt  }
0x78: {  	_ =	shalt  }
0x79: {  	_ =	shalt  }
0x7a: {  	_ =	shalt  }
0x7b: {  	_ =	shalt  }
0x7c: {  	_ =	shalt  }
0x7d: {  	_ =	shalt  }
0x7e: {  	_ =	shalt  }
0x7f: {  	_ =	shalt  }
0x80: {  	_ =	shalt  }
0x81: {  	_ =	shalt  }
0x82: {  	_ =	shalt  }
0x83: {  	_ =	shalt  }
0x84: {  	_ =	shalt  }
0x85: {  	_ =	shalt  }
0x86: {  	_ =	shalt  }
0x87: {  	_ =	shalt  }
.Lfunc_end0:
.L_simem_size_0:
called_computation_lowered:
.L_overlay_start_0:
0x88: {  	s2 =	sld [smem:$0x3FD9]  }
0x89: {  	s3 =	sld [smem:$0x3FFE];
	_ =	sdelay $0x1  }
0x8a: {  	s1 =	srdreg.scid  }
0x8b: {  	s0 =	sand.u32 $0x1, s1  }
0x8c: {  	s17 =	sshll.u32 s0, $0xA;
	s2 =	sadd.s32 s3, s2  }
0x8d: {  	s2 =	sadd.s32 s2, s17  }
0x8e: {  	[smem:$0x3FC0] =	sst s2  }
0x8f: {  	_ = 	snop  }
0x90: {  	s2 =	sld [smem:$0x3FC8]  }
0x91: {  	s18 =	sld [smem:$0x3FD0];
	(tm) =	ssettm $0x1  }
0x92: {  	s4 =	sld [smem:$0x3FFB];
	_ =	sdelay $0x3  }
0x93: {  	_ =	strace s4  }
0x94: {  	s4 =	sld [smem:$0x3FFC];
	_ =	sdelay $0x3  }
0x95: {  	_ =	strace s4  }
0x96: {  	s4 =	sld [smem:$0x3FFD];
	_ =	sdelay $0x3  }
0x97: {  	_ =	strace s4  }
0x98: {  	_ =	strace $0x8FFFFFFF  }
0x99: {  	s19 =	sld [smem:$0x3FDB];
	_ =	sdelay $0x1  }
0x9a: {  	s5 =	simm.s32 $_scs_section_size  }
0x9b: {  	s6 =	simm.s32 $_size__tile_overlayer_lowered;
	s7 =	simm.s32 $_tile_overlayer_lowered  }
0x9c: {  	s22 =	simm.s32 $0x1BFF;
	s21 =	sshll.u32 s7, $0x1;
	s4 =	sadd.s32 s5, s19  }
0x9d: {  	s8 =	simm.s32 $0x0;
	s20 =	sshll.u32 s6, $0x1;
	s6 =	sadd.s32 s21, s4  }
0x9e: {  	[timem:s8], [sflag:s22] =	dma.local [hbm:s6], s20  }
0x9f: {  	_ =	swait.ge [sflag:s22], s20  }
0xa0: {  	s5 =	ssub.s32 $0x0, s20;
	[sflag:s22] =	ssyncset.done $0x0  }
0xa1: {  	[sflag:s22] =	ssyncadd.s32 s5;
	_ =	sdelay $0x1  }
0xa2: {  	s23 =	simm.s32 $0x1B8B  }
0xa3: {  	_ =	swait.ge [sflag:s23], $0x1  }
0xa4: {  	[sflag:s23] =	ssyncset.done $0x0  }
0xa5: {  	s25 =	simm.s32 $0x1B8E;
	s24 =	sld [smem:$0x3FFE];
	[sflag:s23] =	ssyncadd.s32 $0xFFFFFFFF  }
0xa6: {  	s26 =	simm.s32 $execute0_lowered;
	[smem:$0x3FD2] =	sst s25  }
0xa7: {  	s6 =	sshll.u32 s26, $0x1;
	_ =	strace $0x80000046;
	[dreg:$0x1] =	wrdreg $0xFFFFFFFF  }
0xa8: {  	s28 =	simm.s32 $_size_execute0_lowered;
	s4 =	sadd.s32 s4, s6;
	[dreg:$0x0] =	wrdreg $0x0  }
0xa9: {  	s6 =	sshll.u32 s28, $0x1;
	[dreg:$0x2] =	wrdreg s4  }
0xaa: {  	[dreg:$0x3] =	wrdreg s6  }
0xab: {  	[dreg:$0x4] =	wrdreg $0xC0  }
0xac: {  	_ =	task [dreg:s8], $0x5FFFF  }
0xad: {  	[dreg:$0x1] =	wrdreg $0xFFFFFFFF  }
0xae: {  	[dreg:$0x0] =	wrdreg $0x60  }
0xaf: {  	[dreg:$0x2] =	wrdreg s18  }
0xb0: {  	[dreg:$0x3] =	wrdreg s2  }
0xb1: {  	[dreg:$0x4] =	wrdreg s24  }
0xb2: {  	[dreg:$0x5] =	wrdreg $0x9  }
0xb3: {  	_ =	task.clear_ibuf [dreg:s8], $0x6FFFF;
	_ =	strace $0x90000046  }
0xb4: {  	s29 =	simm.s32 $0x9;
	_ =	strace $0x80000048  }
0xb5: {  	_ =	swait.ge [sflag:s29], $0x1  }
0xb6: {  	[sflag:s29] =	ssyncadd.s32 $0xFFFFFFFF  }
0xb7: {  	_ =	strace $0x90000048  }
0xb8: {  	_ =	sfence  }
0xb9: {  	s30 =	sld [smem:$0x0];
	_ =	sdelay $0x2  }
0xba: {  	s31 =	sshll.u32 s1, $0xD;
	s1 =	sshrl.u32 s1, $0x2  }
0xbb: {  	s3 =	sand.u32 $0x4000, s31;
	s1 =	sadd.s32 s1, s30  }
0xbc: {  	s0 =	sor.u32 s3, s0;
	s1 =	sshll.u32 s1, $0x11  }
0xbd: {  	s0 =	sor.u32 s1, s0  }
0xbe: {  	s0 =	sadd.s32 $0x8F2B, s0  }
0xbf: {  	[sflag:s0] =	ssyncadd.remote.s32 $0x1  }
0xc0: {  	_ =	sfence.sel $0xFFFF  }
0xc1: {  	[dreg:$0x0] =	wrdreg $0xFFFFFFFF;
	(pc) =	sbr.abs _section_cstart, $3  }
0xc2: {  	[dreg:$0x1] =	wrdreg $0xFFFFFFFF  }
0xc3: {  	_ =	task.clear_ibuf [dreg:s8], $0x2FFFF;
	_ =	strace $0x9FFFFFFF  }
0xc4: {  	(tm) =	ssettm $0x7FFFFFFF  }
0xc5: {  	_ =	shalt  }
tec
execute0_lowered:
.L_overlay_start_1:
0x0: {  	(tag) =	ssettag $0x1  }
0x1: {  	s0 =	rddreg [dreg:$0x0]  }
0x2: {  	s2 =	rddreg [dreg:$0x1];
	s1 =	srdreg.scid  }
0x3: {  	s9 =	stileid.u32;
	s4 =	rddreg [dreg:$0x2];
	s12 =	simm.s32 $0x50  }
0x4: {  	s13 =	simm.s32 $0x2780;
	s14 =	simm.s32 $0x4F80;
	s16 =	simm.s32 $0x7780  }
0x5: {  	s18 =	simm.s32 $0x9F80;
	s19 =	simm.s32 $0x1;
	s20 =	simm.s32 $0xC780  }
0x6: {  	s28 =	simm.s32 $0x5;
	s29 =	simm.s32 $0x9;
	s30 =	simm.s32 $0x6  }
0x7: {  	s31 =	simm.s32 $0xA;
	s15 =	simm.s32 $0x8;
	s17 =	simm.s32 $0xC  }
0x8: {  	s1 =	sand.u32 $0x1, s1;
	s3 =	sshll.u32 s9, $0x1;
	s21 =	smul.u32 $0x4E200, s9  }
0x9: {  	s5 =	sor.u32 s1, s3;
	s6 =	ssub.s32 $0x2, s1;
	s1 =	smul.u32 $0x27100, s1  }
0xa: {  	s4 =	sadd.s32 $0x1200, s4;
	s3 =	simm.s32 $0x0;
	s7 =	smul.u32 $0x2710, s5  }
0xb: {  	[smem:$0x7FF] =	sst s3;
	s8 =	sshrl.u32 s6, $0x1;
	s5 =	smul.u32 $0x138800, s5  }
0xc: {  	_ =	strace $0x80000047;
	s6 =	ssub.s32 s6, s8;
	s8 =	simm.s32 $0x0  }
0xd: {  	s7 =	sshrl.u32 s7, $0x3;
	s5 =	sshrl.u32 s5, $0x3;
	s26 =	smax.u32 s6, $0x1  }
0xe: {  	s0 =	sadd.s32 s0, s7;
	s22 =	sadd.s32 s4, s5;
	[dreg:$0xb] =	wrdreg s26  }
0xf: {  	s4 =	sadd.s32 s21, s4;
	[dreg:$0x5] =	wrdreg s0;
	s5 =	sadd.s32 $0x25800, s22  }
0x10: {  	s21 =	simm.s32 $0x2;
	s23 =	sadd.s32 $0x25D00, s22;
	[dreg:$0x6] =	wrdreg s5  }
0x11: {  	s26 =	simm.s32 $0x13F80;
	s24 =	sadd.s32 $0x26200, s22;
	[dreg:$0x7] =	wrdreg s23  }
0x12: {  	s7 =	simm.s32 $0x10;
	s25 =	sadd.s32 $0x26700, s22;
	[dreg:$0x8] =	wrdreg s24  }
0x13: {  	s1 =	sadd.s32 s1, s4;
	s0 =	sadd.s32 $0x26C00, s22;
	[dreg:$0x9] =	wrdreg s25  }
0x14: {  	s22 =	simm.s32 $0xEF80;
	s4 =	simm.s32 $0xD;
	[dreg:$0xa] =	wrdreg s0  }
0x15: {  	[dreg:$0x4] =	wrdreg s1;
	s23 =	simm.s32 $0x3;
	s24 =	simm.s32 $0x11780  }
0x16: {  	s25 =	simm.s32 $0x4;
	s1 =	simm.s32 $0x7;
	s0 =	simm.s32 $0xB  }
.LBB2_1:
0x17: {  	s5 =	rddreg [dreg:$0x5];
	s9 =	simm.s32 $0x11  }
0x18: {  	[tilespmem:s3], [sflag:$0x11] =	stream.linear.gather [hbm4b:s5+s3], $0x2710, $0x38;
	[tilespmem:$0x16780] =	vst v63  }
0x19: {  	_ =	swait.ge [sflag:s9], $0x2710  }
0x1a: {  	[sflag:s9] =	ssyncset.done $0x0  }
0x1b: {  	[sflag:s9] =	ssyncadd.s32 $0xFFFFD8F0  }
0x1c: {  	[tilespmem:s13], [sflag:$0x1] =	stream.indirect.gather [hbm4b:s2+s12], $0x80, s3, s12, $0xb8;
	[tilespmem:$0x16780] =	vst v63  }
0x1d: {  	_ = 	snop  }
0x1e: {  	[tilespmem:s14], [sflag:$0x2] =	stream.indirect.gather [hbm4b:s2+s12], $0x80, s12, s12, $0xb8;
	[tilespmem:$0x16780] =	vst v63  }
0x1f: {  	s10 =	simm.s32 $0xA0  }
0x20: {  	[tilespmem:s16], [sflag:$0x3] =	stream.indirect.gather [hbm4b:s2+s12], $0x80, s10, s12, $0xb8;
	[tilespmem:$0x16780] =	vst v63  }
0x21: {  	s11 =	simm.s32 $0xF0  }
0x22: {  	[tilespmem:s18], [sflag:$0x4] =	stream.indirect.gather [hbm4b:s2+s12], $0x80, s11, s12, $0xb8;
	[tilespmem:$0x16780] =	vst v63  }
0x23: {  	_ =	swait.ge [sflag:s19], $0x2800  }
0x24: {  	p0 =	por $0x1, $0x1;
	s9 =	rddreg [dreg:$0x4];
	[sflag:s19] =	ssyncset.done $0x0  }
0x25: {  	[sflag:s19] =	ssyncadd.s32 $0xFFFFD800;
	s10 =	sadd.s32 $0x0, s9;
	s9 =	simm.s32 @!p0 $0xD  }
0x26: {  	[hbm4b:s10+s3] =	stream.linear.scatter [tilespmem:s13], [sflag:$0x9], $0x2800, $0x38;
	[tilespmem:$0x16780] =	vst v63  }
0x27: {  	_ =	swait.ge @!p0 [sflag:s9], $0x2800  }
0x28: {  	[sflag:s9] =	ssyncset.done @!p0 $0x0  }
0x29: {  	s11 =	simm.s32 $0x140;
	[sflag:s9] =	ssyncadd.s32 @!p0 $0xFFFFD800  }
0x2a: {  	[tilespmem:s20], [sflag:$0x5] =	stream.indirect.gather [hbm4b:s2+s12], $0x80, s11, s12, $0xb8;
	[tilespmem:$0x16780] =	vst v63  }
0x2b: {  	_ =	swait.ge [sflag:s21], $0x2800  }
0x2c: {  	[sflag:s21] =	ssyncset.done $0x0  }
0x2d: {  	s6 =	sadd.s32 $0x500, s10;
	s11 =	simm.s32 @!p0 $0xE;
	[sflag:s21] =	ssyncadd.s32 $0xFFFFD800  }
0x2e: {  	[hbm4b:s6+s3] =	stream.linear.scatter [tilespmem:s14], [sflag:$0xA], $0x2800, $0x38;
	[tilespmem:$0x16780] =	vst v63  }
0x2f: {  	_ =	swait.ge @!p0 [sflag:s11], $0x2800  }
0x30: {  	[sflag:s11] =	ssyncset.done @!p0 $0x0  }
0x31: {  	s5 =	simm.s32 $0x190;
	[sflag:s11] =	ssyncadd.s32 @!p0 $0xFFFFD800  }
0x32: {  	[tilespmem:s22], [sflag:$0x6] =	stream.indirect.gather [hbm4b:s2+s12], $0x80, s5, s12, $0xb8;
	[tilespmem:$0x16780] =	vst v63  }
0x33: {  	_ =	swait.ge [sflag:s23], $0x2800  }
0x34: {  	[sflag:s23] =	ssyncset.done $0x0  }
0x35: {  	s6 =	sadd.s32 $0xA00, s10;
	s11 =	simm.s32 @!p0 $0xF;
	[sflag:s23] =	ssyncadd.s32 $0xFFFFD800  }
0x36: {  	[hbm4b:s6+s3] =	stream.linear.scatter [tilespmem:s16], [sflag:$0xB], $0x2800, $0x38;
	[tilespmem:$0x16780] =	vst v63  }
0x37: {  	_ =	swait.ge @!p0 [sflag:s11], $0x2800  }
0x38: {  	[sflag:s11] =	ssyncset.done @!p0 $0x0  }
0x39: {  	s9 =	simm.s32 $0x1E0;
	[sflag:s11] =	ssyncadd.s32 @!p0 $0xFFFFD800  }
0x3a: {  	[tilespmem:s24], [sflag:$0x7] =	stream.indirect.gather [hbm4b:s2+s12], $0x80, s9, s12, $0xb8;
	[tilespmem:$0x16780] =	vst v63  }
0x3b: {  	_ =	swait.ge [sflag:s25], $0x2800  }
0x3c: {  	[sflag:s25] =	ssyncset.done $0x0  }
0x3d: {  	s5 =	sadd.s32 $0xF00, s10;
	s11 =	simm.s32 @!p0 $0x10;
	[sflag:s25] =	ssyncadd.s32 $0xFFFFD800  }
0x3e: {  	[hbm4b:s5+s3] =	stream.linear.scatter [tilespmem:s18], [sflag:$0xC], $0x2800, $0x38;
	[tilespmem:$0x16780] =	vst v63  }
0x3f: {  	_ =	swait.ge @!p0 [sflag:s11], $0x2800  }
0x40: {  	[sflag:s11] =	ssyncset.done @!p0 $0x0  }
0x41: {  	s6 =	simm.s32 $0x230;
	[sflag:s11] =	ssyncadd.s32 @!p0 $0xFFFFD800  }
0x42: {  	[tilespmem:s26], [sflag:$0x8] =	stream.indirect.gather [hbm4b:s2+s12], $0x80, s6, s12, $0xb8;
	[tilespmem:$0x16780] =	vst v63  }
0x43: {  	_ =	swait.ge [sflag:s28], $0x2800  }
0x44: {  	[sflag:s28] =	ssyncset.done $0x0  }
0x45: {  	s5 =	sadd.s32 $0x1400, s10;
	[sflag:s28] =	ssyncadd.s32 $0xFFFFD800  }
0x46: {  	[hbm4b:s5+s3] =	stream.linear.scatter [tilespmem:s20], [sflag:$0xD], $0x2800, $0x38;
	[tilespmem:$0x16780] =	vst v63  }
0x47: {  	_ =	swait.ge [sflag:s29], $0x2800  }
0x48: {  	[sflag:s29] =	ssyncset.done $0x0  }
0x49: {  	s6 =	simm.s32 $0x280;
	[sflag:s29] =	ssyncadd.s32 $0xFFFFD800  }
0x4a: {  	[tilespmem:s13], [sflag:$0x1] =	stream.indirect.gather [hbm4b:s2+s12], $0x80, s6, s12, $0xb8;
	[tilespmem:$0x16780] =	vst v63  }
0x4b: {  	_ =	swait.ge [sflag:s30], $0x2800  }
0x4c: {  	[sflag:s30] =	ssyncset.done $0x0  }
0x4d: {  	s5 =	sadd.s32 $0x1900, s10;
	[sflag:s30] =	ssyncadd.s32 $0xFFFFD800  }
0x4e: {  	[hbm4b:s5+s3] =	stream.linear.scatter [tilespmem:s22], [sflag:$0xE], $0x2800, $0x38;
	[tilespmem:$0x16780] =	vst v63  }
0x4f: {  	_ =	swait.ge [sflag:s31], $0x2800  }
0x50: {  	[sflag:s31] =	ssyncset.done $0x0  }
0x51: {  	s6 =	simm.s32 $0x2D0;
	[sflag:s31] =	ssyncadd.s32 $0xFFFFD800  }
0x52: {  	[tilespmem:s14], [sflag:$0x2] =	stream.indirect.gather [hbm4b:s2+s12], $0x80, s6, s12, $0xb8;
	[tilespmem:$0x16780] =	vst v63  }
0x53: {  	_ =	swait.ge [sflag:s1], $0x2800  }
0x54: {  	[sflag:s1] =	ssyncset.done $0x0  }
0x55: {  	s5 =	sadd.s32 $0x1E00, s10;
	[sflag:s1] =	ssyncadd.s32 $0xFFFFD800  }
0x56: {  	[hbm4b:s5+s3] =	stream.linear.scatter [tilespmem:s24], [sflag:$0xF], $0x2800, $0x38;
	[tilespmem:$0x16780] =	vst v63  }
0x57: {  	_ =	swait.ge [sflag:s0], $0x2800  }
0x58: {  	[sflag:s0] =	ssyncset.done $0x0  }
0x59: {  	s6 =	simm.s32 $0x320;
	[sflag:s0] =	ssyncadd.s32 $0xFFFFD800  }
0x5a: {  	[tilespmem:s16], [sflag:$0x3] =	stream.indirect.gather [hbm4b:s2+s12], $0x80, s6, s12, $0xb8;
	[tilespmem:$0x16780] =	vst v63  }
0x5b: {  	_ =	swait.ge [sflag:s15], $0x2800  }
0x5c: {  	[sflag:s15] =	ssyncset.done $0x0  }
0x5d: {  	s10 =	sadd.s32 $0x2300, s10;
	[sflag:s15] =	ssyncadd.s32 $0xFFFFD800  }
0x5e: {  	[hbm4b:s10+s3] =	stream.linear.scatter [tilespmem:s26], [sflag:$0x10], $0x2800, $0x38;
	[tilespmem:$0x16780] =	vst v63  }
0x5f: {  	_ =	swait.ge [sflag:s17], $0x2800  }
0x60: {  	s11 =	simm.s32 $0x370;
	s10 =	simm.s32 $0x2800;
	[sflag:s17] =	ssyncset.done $0x0  }
.LBB2_2:
0x61: {  	[sflag:s17] =	ssyncadd.s32 $0xFFFFD800  }
0x62: {  	[tilespmem:s18], [sflag:$0x4] =	stream.indirect.gather [hbm4b:s2+s12], $0x80, s11, s12, $0xb8;
	[tilespmem:$0x16780] =	vst v63  }
0x63: {  	s5 =	smov.u32 s10;
	_ =	swait.ge [sflag:s19], $0x2800  }
0x64: {  	p1 =	seq.s32 s5, $0x0;
	s6 =	rddreg [dreg:$0x4];
	[sflag:s19] =	ssyncset.done $0x0  }
0x65: {  	[sflag:s19] =	ssyncadd.s32 $0xFFFFD800;
	s11 =	sadd.s32 s5, s6;
	s5 =	simm.s32 @!p1 $0xD  }
0x66: {  	[hbm4b:s11+s3] =	stream.linear.scatter [tilespmem:s13], [sflag:$0x9], $0x2800, $0x38;
	[tilespmem:$0x16780] =	vst v63  }
0x67: {  	_ =	swait.ge @!p1 [sflag:s5], $0x2800  }
0x68: {  	s9 =	sadd.s32 $0x280, s9;
	[sflag:s5] =	ssyncset.done @!p1 $0x0  }
0x69: {  	s6 =	sadd.s32 $0xFFFFFF60, s9;
	[sflag:s5] =	ssyncadd.s32 @!p1 $0xFFFFD800  }
0x6a: {  	[tilespmem:s20], [sflag:$0x5] =	stream.indirect.gather [hbm4b:s2+s12], $0x80, s6, s12, $0xb8;
	[tilespmem:$0x16780] =	vst v63  }
0x6b: {  	_ =	swait.ge [sflag:s21], $0x2800  }
0x6c: {  	[sflag:s21] =	ssyncset.done $0x0  }
0x6d: {  	s5 =	sadd.s32 $0x500, s11;
	s6 =	simm.s32 @!p1 $0xE;
	[sflag:s21] =	ssyncadd.s32 $0xFFFFD800  }
0x6e: {  	[hbm4b:s5+s3] =	stream.linear.scatter [tilespmem:s14], [sflag:$0xA], $0x2800, $0x38;
	[tilespmem:$0x16780] =	vst v63  }
0x6f: {  	_ =	swait.ge @!p1 [sflag:s6], $0x2800  }
0x70: {  	[sflag:s6] =	ssyncset.done @!p1 $0x0  }
0x71: {  	s5 =	sadd.s32 $0xFFFFFFB0, s9;
	[sflag:s6] =	ssyncadd.s32 @!p1 $0xFFFFD800  }
0x72: {  	[tilespmem:s22], [sflag:$0x6] =	stream.indirect.gather [hbm4b:s2+s12], $0x80, s5, s12, $0xb8;
	[tilespmem:$0x16780] =	vst v63  }
0x73: {  	_ =	swait.ge [sflag:s23], $0x2800  }
0x74: {  	[sflag:s23] =	ssyncset.done $0x0  }
0x75: {  	s6 =	simm.s32 @!p1 $0xF;
	s5 =	sadd.s32 $0xA00, s11;
	[sflag:s23] =	ssyncadd.s32 $0xFFFFD800  }
0x76: {  	[hbm4b:s5+s3] =	stream.linear.scatter [tilespmem:s16], [sflag:$0xB], $0x2800, $0x38;
	[tilespmem:$0x16780] =	vst v63  }
0x77: {  	_ =	swait.ge @!p1 [sflag:s6], $0x2800  }
0x78: {  	[sflag:s6] =	ssyncset.done @!p1 $0x0  }
0x79: {  	[sflag:s6] =	ssyncadd.s32 @!p1 $0xFFFFD800  }
0x7a: {  	[tilespmem:s24], [sflag:$0x7] =	stream.indirect.gather [hbm4b:s2+s12], $0x80, s9, s12, $0xb8;
	[tilespmem:$0x16780] =	vst v63  }
0x7b: {  	_ =	swait.ge [sflag:s25], $0x2800  }
0x7c: {  	[sflag:s25] =	ssyncset.done $0x0  }
0x7d: {  	s5 =	sadd.s32 $0xF00, s11;
	s6 =	simm.s32 @!p1 $0x10;
	[sflag:s25] =	ssyncadd.s32 $0xFFFFD800  }
0x7e: {  	[hbm4b:s5+s3] =	stream.linear.scatter [tilespmem:s18], [sflag:$0xC], $0x2800, $0x38;
	[tilespmem:$0x16780] =	vst v63  }
0x7f: {  	_ =	swait.ge @!p1 [sflag:s6], $0x2800  }
0x80: {  	[sflag:s6] =	ssyncset.done @!p1 $0x0  }
0x81: {  	s5 =	sadd.s32 $0x50, s9;
	[sflag:s6] =	ssyncadd.s32 @!p1 $0xFFFFD800  }
0x82: {  	[tilespmem:s26], [sflag:$0x8] =	stream.indirect.gather [hbm4b:s2+s12], $0x80, s5, s12, $0xb8;
	[tilespmem:$0x16780] =	vst v63  }
0x83: {  	_ =	swait.ge [sflag:s28], $0x2800  }
0x84: {  	[sflag:s28] =	ssyncset.done $0x0  }
0x85: {  	s6 =	sadd.s32 $0x1400, s11;
	[sflag:s28] =	ssyncadd.s32 $0xFFFFD800  }
0x86: {  	[hbm4b:s6+s3] =	stream.linear.scatter [tilespmem:s20], [sflag:$0xD], $0x2800, $0x38;
	[tilespmem:$0x16780] =	vst v63  }
0x87: {  	_ =	swait.ge [sflag:s29], $0x2800  }
0x88: {  	[sflag:s29] =	ssyncset.done $0x0  }
0x89: {  	s6 =	sadd.s32 $0xA0, s9;
	[sflag:s29] =	ssyncadd.s32 $0xFFFFD800  }
0x8a: {  	[tilespmem:s13], [sflag:$0x1] =	stream.indirect.gather [hbm4b:s2+s12], $0x80, s6, s12, $0xb8;
	[tilespmem:$0x16780] =	vst v63  }
0x8b: {  	_ =	swait.ge [sflag:s30], $0x2800  }
0x8c: {  	[sflag:s30] =	ssyncset.done $0x0  }
0x8d: {  	s6 =	sadd.s32 $0x1900, s11;
	[sflag:s30] =	ssyncadd.s32 $0xFFFFD800  }
0x8e: {  	[hbm4b:s6+s3] =	stream.linear.scatter [tilespmem:s22], [sflag:$0xE], $0x2800, $0x38;
	[tilespmem:$0x16780] =	vst v63  }
0x8f: {  	_ =	swait.ge [sflag:s31], $0x2800  }
0x90: {  	[sflag:s31] =	ssyncset.done $0x0  }
0x91: {  	s6 =	sadd.s32 $0xF0, s9;
	[sflag:s31] =	ssyncadd.s32 $0xFFFFD800  }
0x92: {  	[tilespmem:s14], [sflag:$0x2] =	stream.indirect.gather [hbm4b:s2+s12], $0x80, s6, s12, $0xb8;
	[tilespmem:$0x16780] =	vst v63  }
0x93: {  	_ =	swait.ge [sflag:s1], $0x2800  }
0x94: {  	[sflag:s1] =	ssyncset.done $0x0  }
0x95: {  	s6 =	sadd.s32 $0x1E00, s11;
	[sflag:s1] =	ssyncadd.s32 $0xFFFFD800  }
0x96: {  	[hbm4b:s6+s3] =	stream.linear.scatter [tilespmem:s24], [sflag:$0xF], $0x2800, $0x38;
	[tilespmem:$0x16780] =	vst v63  }
0x97: {  	_ =	swait.ge [sflag:s0], $0x2800  }
0x98: {  	[sflag:s0] =	ssyncset.done $0x0  }
0x99: {  	s10 =	sadd.s32 $0x2800, s10;
	s6 =	sadd.s32 $0x140, s9;
	[sflag:s0] =	ssyncadd.s32 $0xFFFFD800  }
0x9a: {  	[tilespmem:s16], [sflag:$0x3] =	stream.indirect.gather [hbm4b:s2+s12], $0x80, s6, s12, $0xb8;
	[tilespmem:$0x16780] =	vst v63  }
0x9b: {  	p0 =	sne.s32 s10, $0x25800;
	_ =	swait.ge [sflag:s15], $0x2800  }
.Ltmp0:
0x9c: {  	[sflag:s15] =	ssyncset.done $0x0;
	(pc) =	sbr.rel @p0 .LBB2_2-.Ltmp0, $4  }
0x9d: {  	s11 =	sadd.s32 $0x2300, s11;
	[sflag:s15] =	ssyncadd.s32 $0xFFFFD800  }
0x9e: {  	[hbm4b:s11+s3] =	stream.linear.scatter [tilespmem:s26], [sflag:$0x10], $0x2800, $0x38;
	[tilespmem:$0x16780] =	vst v63  }
0x9f: {  	_ =	swait.ge [sflag:s17], $0x2800  }
0xa0: {  	s11 =	sadd.s32 $0x190, s9;
	[sflag:s17] =	ssyncset.done $0x0  }
0xa1: {  	[sflag:s17] =	ssyncadd.s32 $0xFFFFD800  }
0xa2: {  	[tilespmem:s18], [sflag:$0x4] =	stream.indirect.gather [hbm4b:s2+s12], $0x80, s11, s12, $0xb8;
	[tilespmem:$0x16780] =	vst v63  }
0xa3: {  	_ =	swait.ge [sflag:s19], $0x2800  }
0xa4: {  	[sflag:s19] =	ssyncset.done $0x0  }
0xa5: {  	s5 =	rddreg [dreg:$0x6];
	[sflag:s19] =	ssyncadd.s32 $0xFFFFD800  }
0xa6: {  	[hbm4b:s5+s3] =	stream.linear.scatter [tilespmem:s13], [sflag:$0x9], $0x2800, $0x38;
	[tilespmem:$0x16780] =	vst v63  }
0xa7: {  	_ =	swait.ge [sflag:s4], $0x2800  }
0xa8: {  	[sflag:s4] =	ssyncset.done $0x0  }
0xa9: {  	s6 =	simm.s32 $0x26C0;
	[sflag:s4] =	ssyncadd.s32 $0xFFFFD800  }
0xaa: {  	[tilespmem:s20], [sflag:$0x5] =	stream.indirect.gather [hbm4b:s2+s12], $0x80, s6, s12, $0xb8;
	[tilespmem:$0x16780] =	vst v63  }
0xab: {  	_ =	swait.ge [sflag:s21], $0x2800  }
0xac: {  	[sflag:s21] =	ssyncset.done $0x0  }
0xad: {  	s9 =	rddreg [dreg:$0x7];
	[sflag:s21] =	ssyncadd.s32 $0xFFFFD800  }
0xae: {  	[hbm4b:s9+s3] =	stream.linear.scatter [tilespmem:s14], [sflag:$0xA], $0x2800, $0x38;
	[tilespmem:$0x16780] =	vst v63  }
0xaf: {  	_ =	swait.ge [sflag:s23], $0x2800  }
0xb0: {  	[sflag:s23] =	ssyncset.done $0x0  }
0xb1: {  	s10 =	rddreg [dreg:$0x8];
	[sflag:s23] =	ssyncadd.s32 $0xFFFFD800  }
0xb2: {  	[hbm4b:s10+s3] =	stream.linear.scatter [tilespmem:s16], [sflag:$0xB], $0x2800, $0x38;
	[tilespmem:$0x16780] =	vst v63  }
0xb3: {  	_ =	swait.ge [sflag:s25], $0x2800  }
0xb4: {  	[sflag:s25] =	ssyncset.done $0x0  }
0xb5: {  	s11 =	rddreg [dreg:$0x9];
	[sflag:s25] =	ssyncadd.s32 $0xFFFFD800  }
0xb6: {  	[hbm4b:s11+s3] =	stream.linear.scatter [tilespmem:s18], [sflag:$0xC], $0x2800, $0x38;
	[tilespmem:$0x16780] =	vst v63  }
0xb7: {  	_ =	swait.ge [sflag:s28], $0x2800  }
0xb8: {  	[sflag:s28] =	ssyncset.done $0x0  }
0xb9: {  	s9 =	simm.s32 $0xE;
	s6 =	rddreg [dreg:$0xa];
	[sflag:s28] =	ssyncadd.s32 $0xFFFFD800  }
0xba: {  	[hbm4b:s6+s3] =	stream.linear.scatter [tilespmem:s20], [sflag:$0xD], $0x2800, $0x38;
	[tilespmem:$0x16780] =	vst v63  }
0xbb: {  	_ =	swait.ge [sflag:s9], $0x2800  }
0xbc: {  	[sflag:s9] =	ssyncset.done $0x0  }
0xbd: {  	s10 =	simm.s32 $0xF;
	[sflag:s9] =	ssyncadd.s32 $0xFFFFD800  }
0xbe: {  	_ =	swait.ge [sflag:s10], $0x2800  }
0xbf: {  	[sflag:s10] =	ssyncset.done $0x0  }
0xc0: {  	[sflag:s10] =	ssyncadd.s32 $0xFFFFD800  }
0xc1: {  	_ =	swait.ge [sflag:s7], $0x2800  }
0xc2: {  	[sflag:s7] =	ssyncset.done $0x0  }
0xc3: {  	[sflag:s7] =	ssyncadd.s32 $0xFFFFD800  }
0xc4: {  	_ =	swait.ge [sflag:s29], $0x2800  }
0xc5: {  	[sflag:s29] =	ssyncset.done $0x0  }
0xc6: {  	[sflag:s29] =	ssyncadd.s32 $0xFFFFD800  }
0xc7: {  	_ =	swait.ge [sflag:s31], $0x2800  }
0xc8: {  	[sflag:s31] =	ssyncset.done $0x0  }
0xc9: {  	[sflag:s31] =	ssyncadd.s32 $0xFFFFD800  }
0xca: {  	_ =	swait.ge [sflag:s0], $0x2800  }
0xcb: {  	[sflag:s0] =	ssyncset.done $0x0  }
0xcc: {  	[sflag:s0] =	ssyncadd.s32 $0xFFFFD800  }
0xcd: {  	_ =	swait.ge [sflag:s17], $0x2800  }
0xce: {  	[sflag:s17] =	ssyncset.done $0x0  }
0xcf: {  	[sflag:s17] =	ssyncadd.s32 $0xFFFFD800  }
0xd0: {  	_ =	swait.ge [sflag:s4], $0x2800  }
0xd1: {  	s8 =	sadd.s32 $0x1, s8;
	s11 =	rddreg [dreg:$0xb]  }
0xd2: {  	p0 =	sne.s32 s8, s11  }
.Ltmp1:
0xd3: {  	_ = 	snop;
	(pc) =	sbr.rel @p0 .LBB2_1-.Ltmp1, $3  }
0xd4: {  	_ =	sdelay $0x1  }
0xd5: {  	[sflag:s4] =	ssyncset.done $0x0  }
0xd6: {  	[sflag:s4] =	ssyncadd.s32 $0xFFFFD800  }
0xd7: {  	_ =	sfence.sel $0x180000  }
0xd8: {  	[bflag:$0x0] =	sbarrier.arrive $0xFFFF  }
0xd9: {  	_ =	strace $0x90000047  }
0xda: {  	s0 =	stileid.u32;
	[bflag:$0x2] =	sbarrier.arrive $0xFFFF  }
0xdb: {  	p0 =	sne.s32 s0, $0x0;
	s0 =	rddreg [dreg:$0x3]  }
0xdc: {  	s0 =	sadd.s32 @!p0 $0x100000, s0  }
0xdd: {  	[sflag:s0] =	ssyncadd.tile.s32 @!p0 $0x1;
	_ =	shalt  }
.Lfunc_end2:
_tile_overlayer_lowered:
.L_overlay_start_2:
0xde: {  	(tag) =	ssettag $0x2  }
0xdf: {  	s0 =	rddreg [dreg:$0x0];
	s2 =	stileid.u32  }
0xe0: {  	s1 =	rddreg [dreg:$0x1];
	p0 =	sne.s32 s2, $0x0  }
0xe1: {  	s3 =	rddreg [dreg:$0x2];
	[bflag:$0x3] =	sbarrier.arrive $0xFFFF;
	s2 =	simm.s32 @!p0 $0x1C11  }
0xe2: {  	[timem:s3], [sflag:s2] =	dma.local @!p0 [hbm:s0], s1  }
0xe3: {  	s0 =	simm.s32 @!p0 $0x11  }
0xe4: {  	_ =	swait.ge @!p0 [sflag:s0], s1  }
0xe5: {  	s1 =	ssub.s32 @!p0 $0x0, s1;
	[sflag:s0] =	ssyncset.done @!p0 $0x0  }
0xe6: {  	[sflag:s0] =	ssyncadd.s32 @!p0 s1  }
0xe7: {  	[bflag:$0x3] =	sbarrier.arrive $0xFFFF  }
0xe8: {  	_ =	shalt  }

</sc_bundles>
